<compile_context>
chip_gen: v7x
topology: tpu7x:2x2x1
jax: 0.10.2.dev20260603
libtpu: 0.0.44.dev20260713+nightly
codegen_flags: <defaults>
</compile_context>

<pallas_src>
import functools

import jax
import jax.numpy as jnp
from jax import lax
from jax.experimental import pallas as pl
from jax.experimental.pallas import tpu as pltpu
from jax.experimental.pallas import tpu_sc as plsc

N = 160000
D_IN = 256
D_H = 512
N_SEG = 1024


TILE = 8000
NBLK = N // TILE


def _mlp_body(px_ref, w1_ref, b1_ref, w2_ref, b2_ref, w3_ref, y_ref,
              w1s, b1s, w2s, b2s):
    @pl.when(pl.program_id(0) == 0)
    def _scale_weights():
        w1s[...] = w1_ref[...] * 0.5
        b1s[...] = b1_ref[...] * 0.5
        w2s[...] = w2_ref[...] * 0.5
        b2s[...] = b2_ref[...] * 0.5

    def _silu_half(t):
        return t + t * jnp.tanh(t)

    def _chain(x):
        t = jnp.dot(x, w1s[...], preferred_element_type=jnp.float32)
        h = _silu_half(t + b1s[...])
        t = jnp.dot(h, w2s[...], preferred_element_type=jnp.float32)
        h = _silu_half(t + b2s[...])
        return jnp.dot(h, w3_ref[...], preferred_element_type=jnp.float32)

    x = px_ref[...]
    q = TILE // 4
    for i in range(4):
        y_ref[0, i * q:(i + 1) * q, :] = _chain(x[i * q:(i + 1) * q, :])


def _mlp(px, W1, b1r, W2, b2r, w3r):
    return pl.pallas_call(
        _mlp_body,
        grid=(NBLK,),
        in_specs=[
            pl.BlockSpec((TILE, D_IN), lambda i: (i, 0)),
            pl.BlockSpec((D_IN, D_H), lambda i: (0, 0)),
            pl.BlockSpec((1, D_H), lambda i: (0, 0)),
            pl.BlockSpec((D_H, D_H), lambda i: (0, 0)),
            pl.BlockSpec((1, D_H), lambda i: (0, 0)),
            pl.BlockSpec((D_H, 1), lambda i: (0, 0)),
        ],
        out_specs=pl.BlockSpec((1, TILE, 1), lambda i: (i, 0, 0)),
        out_shape=jax.ShapeDtypeStruct((NBLK, TILE, 1), jnp.float32),
        scratch_shapes=[
            pltpu.VMEM((D_IN, D_H), jnp.float32),
            pltpu.VMEM((1, D_H), jnp.float32),
            pltpu.VMEM((D_H, D_H), jnp.float32),
            pltpu.VMEM((1, D_H), jnp.float32),
        ],
        compiler_params=pltpu.CompilerParams(
            dimension_semantics=("arbitrary",),
        ),
    )(px, W1, b1r, W2, b2r, w3r)



NC = 2
NS = 16
LANES = 16
NW = NC * NS
CHUNK = N // NW
NVEC = CHUNK // LANES
TAIL = CHUNK - NVEC * LANES
BUF = (NVEC + 1) * LANES
SEG_CH = N_SEG // LANES

def _segsum_body(y_hbm, ids_hbm, out_hbm, yv, idv, acc, part):
    c = lax.axis_index("c")
    s = lax.axis_index("s")
    wid = s * NC + c
    base = wid * CHUNK
    pltpu.sync_copy(y_hbm.at[pl.ds(base, CHUNK)], yv.at[pl.ds(0, CHUNK)])
    pltpu.sync_copy(ids_hbm.at[pl.ds(base, CHUNK)], idv.at[pl.ds(0, CHUNK)])

    lane = lax.iota(jnp.int32, LANES)
    zeros16 = jnp.zeros((LANES,), jnp.float32)

    def _zero(i, carry):
        for l in range(LANES):
            acc[l, pl.ds(i * LANES, LANES)] = zeros16
        return carry

    lax.fori_loop(0, SEG_CH, _zero, 0)

    def _scat(i, carry):
        vals = yv[pl.ds(i * LANES, LANES)]
        ids = idv[pl.ds(i * LANES, LANES)]
        plsc.addupdate_scatter(acc, [lane, ids], vals)
        return carry

    lax.fori_loop(0, NVEC, _scat, 0)

    tvals = yv[pl.ds(NVEC * LANES, LANES)]
    tids = idv[pl.ds(NVEC * LANES, LANES)]
    plsc.addupdate_scatter(acc, [lane, tids], tvals, mask=lane < TAIL)

    def _comb(j, carry):
        tot = acc[0, pl.ds(j * LANES, LANES)]
        for l in range(1, LANES):
            tot = tot + acc[l, pl.ds(j * LANES, LANES)]
        part[j, :] = tot
        return carry

    lax.fori_loop(0, SEG_CH, _comb, 0)

    pltpu.sync_copy(part, out_hbm.at[wid])


@functools.cache
def _segsum():
    mesh = plsc.VectorSubcoreMesh(core_axis_name="c", subcore_axis_name="s")
    return pl.kernel(
        _segsum_body,
        mesh=mesh,
        compiler_params=pltpu.CompilerParams(
            use_tc_tiling_on_sc=False, needs_layout_passes=False
        ),
        out_type=jax.ShapeDtypeStruct((NW, SEG_CH, LANES), jnp.float32),
        scratch_types=[
            pltpu.VMEM((BUF,), jnp.float32),
            pltpu.VMEM((BUF,), jnp.int32),
            pltpu.VMEM((LANES, N_SEG), jnp.float32),
            pltpu.VMEM((SEG_CH, LANES), jnp.float32),
        ],
    )



def kernel(atom_batch, px, W1, b1, W2, b2, W3):
    y = _mlp(px, W1, b1.reshape(1, D_H), W2, b2.reshape(1, D_H), W3).reshape(N)
    parts = _segsum()(y, atom_batch)
    return parts.sum(axis=0).reshape(N_SEG)

# --- scband reference (transcript-rebuilt; emitter-appended) ---
"""Pipeline reference for scband-batchwise-5918464934537 (READ-ONLY COPY).

The authoritative reference and input builder live on the scoring server;
editing this copy changes nothing except your own understanding.
"""

import jax, jax.numpy as jnp
import numpy as np

N = 160000
D_IN = 256
D_H = 512
N_SEG = 1024


def setup_inputs(seed: int = 0) -> dict:
    key = jax.random.key(seed)
    k1, k2, k3, k4, k5 = jax.random.split(key, 5)
    px = jax.random.normal(k1, (N, D_IN), dtype=jnp.float32)
    atom_batch = jnp.sort(jax.random.randint(k2, (N,), 0, N_SEG, dtype=jnp.int32))
    W1 = jax.random.normal(k3, (D_IN, D_H), dtype=jnp.float32) * (1.0 / np.sqrt(D_IN))
    b1 = jnp.zeros((D_H,), dtype=jnp.float32)
    W2 = jax.random.normal(k4, (D_H, D_H), dtype=jnp.float32) * (1.0 / np.sqrt(D_H))
    b2 = jnp.zeros((D_H,), dtype=jnp.float32)
    W3 = jax.random.normal(k5, (D_H, 1), dtype=jnp.float32) * (1.0 / np.sqrt(D_H))
    return {"atom_batch": atom_batch, "px": px, "W1": W1, "b1": b1, "W2": W2, "b2": b2, "W3": W3}


def reference(atom_batch, px, W1, b1, W2, b2, W3):
    # FeedForward([256, 512, 512, 1], activation=silu, last_bias=False)
    y = jax.nn.silu(px @ W1 + b1)
    y = jax.nn.silu(y @ W2 + b2)
    y = y @ W3  # [N, 1], no bias on last layer
    # batch_add: index_add per-atom contributions into per-molecule accumulator
    result = jax.ops.segment_sum(y, atom_batch, num_segments=N_SEG)  # [N_SEG, 1]
    return result.squeeze()

if __name__ == "__main__":
    import jax
    _d = setup_inputs()
    print(jax.jit(kernel)(*tuple(_d.values())))

</pallas_src>

<mosaic_0001>
#map = affine_map<(d0, d1) -> (0)>
#map1 = affine_map<(d0, d1) -> (0, 0, 0)>
module attributes {stable_mosaic.version = 14 : i64} {
  func.func @_segsum_body(%arg0: i32, %arg1: i32, %arg2: memref<160000xf32, #tpu.memory_space<hbm>>, %arg3: memref<160000xi32, #tpu.memory_space<hbm>>, %arg4: memref<32x64x16xf32, #tpu.memory_space<hbm>>, %arg5: memref<5008xf32, #tpu.memory_space<vmem>>, %arg6: memref<5008xi32, #tpu.memory_space<vmem>>, %arg7: memref<16x1024xf32, #tpu.memory_space<vmem>>, %arg8: memref<64x16xf32, #tpu.memory_space<vmem>>) attributes {dimension_semantics = [#tpu.dimension_semantics<core_parallel>, #tpu.dimension_semantics<subcore_parallel>], iteration_bounds = array<i64: 2, 16>, scalar_prefetch = 0 : i64, scratch_operands = 4 : i64, tpu.core_type = #tpu.core_type<sc_vector_subcore>, window_params = [{transform_indices = #map}, {transform_indices = #map}, {transform_indices = #map1}]} {
    %mul3A = arith.constant 2 : i32
    %mul3A_0 = arith.muli %arg1, %mul3A : i32
    %add3A = arith.addi %mul3A_0, %arg0 : i32
    %mul3A_1 = arith.constant 5000 : i32
    %mul3A_2 = arith.muli %add3A, %mul3A_1 : i32
    "tpu.region"() ({
      %run_scoped3A = tpu.sem_alloc : memref<!tpu.dma_semaphore, #tpu.memory_space<semaphore_mem>>
      %dma_start3A = arith.constant 0 : i32
      %dma_start3A_26 = tpu.memref_slice %arg5[%dma_start3A] : memref<5008xf32, #tpu.memory_space<vmem>> -> memref<5000xf32, #tpu.memory_space<vmem>>
      %dma_start3A_27 = tpu.memref_slice %arg2[%mul3A_2] : memref<160000xf32, #tpu.memory_space<hbm>> -> memref<5000xf32, #tpu.memory_space<hbm>>
      %dma_start3A_28 = arith.constant 0 : i32
      %dma_start3A_29 = tpu.memref_slice %arg5[%dma_start3A_28] : memref<5008xf32, #tpu.memory_space<vmem>> -> memref<5000xf32, #tpu.memory_space<vmem>>
      %dma_start3A_30 = tpu.memref_slice %arg2[%mul3A_2] : memref<160000xf32, #tpu.memory_space<hbm>> -> memref<5000xf32, #tpu.memory_space<hbm>>
      tpu.enqueue_dma source(%dma_start3A_30 : memref<5000xf32, #tpu.memory_space<hbm>>) target(%dma_start3A_29 : memref<5000xf32, #tpu.memory_space<vmem>>) target_semaphore(%run_scoped3A : memref<!tpu.dma_semaphore, #tpu.memory_space<semaphore_mem>>)
      %dma_wait3A = arith.constant 0 : i32
      %dma_wait3A_31 = tpu.memref_slice %arg5[%dma_wait3A] : memref<5008xf32, #tpu.memory_space<vmem>> -> memref<5000xf32, #tpu.memory_space<vmem>>
      %dma_wait3A_32 = tpu.memref_slice %arg2[%mul3A_2] : memref<160000xf32, #tpu.memory_space<hbm>> -> memref<5000xf32, #tpu.memory_space<hbm>>
      %dma_wait3A_33 = arith.constant 0 : i32
      %dma_wait3A_34 = tpu.memref_slice %arg5[%dma_wait3A_33] : memref<5008xf32, #tpu.memory_space<vmem>> -> memref<5000xf32, #tpu.memory_space<vmem>>
      %dma_wait3A_35 = tpu.memref_slice %arg2[%mul3A_2] : memref<160000xf32, #tpu.memory_space<hbm>> -> memref<5000xf32, #tpu.memory_space<hbm>>
      tpu.wait_dma2 semaphore(%run_scoped3A : memref<!tpu.dma_semaphore, #tpu.memory_space<semaphore_mem>>) src(%dma_wait3A_35 : memref<5000xf32, #tpu.memory_space<hbm>>) dst(%dma_wait3A_34 : memref<5000xf32, #tpu.memory_space<vmem>>)
      tpu.yield
    }) : () -> ()
    "tpu.region"() ({
      %run_scoped3A = tpu.sem_alloc : memref<!tpu.dma_semaphore, #tpu.memory_space<semaphore_mem>>
      %dma_start3A = arith.constant 0 : i32
      %dma_start3A_26 = tpu.memref_slice %arg6[%dma_start3A] : memref<5008xi32, #tpu.memory_space<vmem>> -> memref<5000xi32, #tpu.memory_space<vmem>>
      %dma_start3A_27 = tpu.memref_slice %arg3[%mul3A_2] : memref<160000xi32, #tpu.memory_space<hbm>> -> memref<5000xi32, #tpu.memory_space<hbm>>
      %dma_start3A_28 = arith.constant 0 : i32
      %dma_start3A_29 = tpu.memref_slice %arg6[%dma_start3A_28] : memref<5008xi32, #tpu.memory_space<vmem>> -> memref<5000xi32, #tpu.memory_space<vmem>>
      %dma_start3A_30 = tpu.memref_slice %arg3[%mul3A_2] : memref<160000xi32, #tpu.memory_space<hbm>> -> memref<5000xi32, #tpu.memory_space<hbm>>
      tpu.enqueue_dma source(%dma_start3A_30 : memref<5000xi32, #tpu.memory_space<hbm>>) target(%dma_start3A_29 : memref<5000xi32, #tpu.memory_space<vmem>>) target_semaphore(%run_scoped3A : memref<!tpu.dma_semaphore, #tpu.memory_space<semaphore_mem>>)
      %dma_wait3A = arith.constant 0 : i32
      %dma_wait3A_31 = tpu.memref_slice %arg6[%dma_wait3A] : memref<5008xi32, #tpu.memory_space<vmem>> -> memref<5000xi32, #tpu.memory_space<vmem>>
      %dma_wait3A_32 = tpu.memref_slice %arg3[%mul3A_2] : memref<160000xi32, #tpu.memory_space<hbm>> -> memref<5000xi32, #tpu.memory_space<hbm>>
      %dma_wait3A_33 = arith.constant 0 : i32
      %dma_wait3A_34 = tpu.memref_slice %arg6[%dma_wait3A_33] : memref<5008xi32, #tpu.memory_space<vmem>> -> memref<5000xi32, #tpu.memory_space<vmem>>
      %dma_wait3A_35 = tpu.memref_slice %arg3[%mul3A_2] : memref<160000xi32, #tpu.memory_space<hbm>> -> memref<5000xi32, #tpu.memory_space<hbm>>
      tpu.wait_dma2 semaphore(%run_scoped3A : memref<!tpu.dma_semaphore, #tpu.memory_space<semaphore_mem>>) src(%dma_wait3A_35 : memref<5000xi32, #tpu.memory_space<hbm>>) dst(%dma_wait3A_34 : memref<5000xi32, #tpu.memory_space<vmem>>)
      tpu.yield
    }) : () -> ()
    %iota3A = tpu.iota {dimensions = array<i32: 0>} : vector<16xi32>
    %broadcast_in_dim3A = arith.constant 0.000000e+00 : f32
    %broadcast_in_dim3A_3 = vector.broadcast %broadcast_in_dim3A : f32 to vector<16xf32>
    %scan3A = arith.constant 0 : i32
    %scan3A_4 = arith.constant 0 : i32
    %scan3A_5 = arith.constant 64 : i32
    %scan3A_6 = arith.addi %scan3A_4, %scan3A_5 : i32
    %scan3A_7 = arith.constant 1 : i32
    scf.for %scan3A_26 = %scan3A_4 to %scan3A_6 step %scan3A_7  : i32 {
      %mul3A_27 = arith.constant 16 : i32
      %mul3A_28 = arith.muli %scan3A_26, %mul3A_27 : i32
      %swap3A = arith.constant 0 : i32
      %swap3A_29 = arith.index_cast %swap3A : i32 to index
      %swap3A_30 = arith.index_cast %mul3A_28 : i32 to index
      %swap3A_31 = tpu.vector_load %arg7[%swap3A_29, %swap3A_30] {strides = array<i32>} : memref<16x1024xf32, #tpu.memory_space<vmem>>, vector<16xf32>,
      tpu.vector_store %arg7[%swap3A_29, %swap3A_30], %broadcast_in_dim3A_3 {strides = array<i32>} : memref<16x1024xf32, #tpu.memory_space<vmem>>, vector<16xf32>,
      %mul3A_32 = arith.constant 16 : i32
      %mul3A_33 = arith.muli %scan3A_26, %mul3A_32 : i32
      %swap3A_34 = arith.constant 1 : i32
      %swap3A_35 = arith.index_cast %swap3A_34 : i32 to index
      %swap3A_36 = arith.index_cast %mul3A_33 : i32 to index
      %swap3A_37 = tpu.vector_load %arg7[%swap3A_35, %swap3A_36] {strides = array<i32>} : memref<16x1024xf32, #tpu.memory_space<vmem>>, vector<16xf32>,
      tpu.vector_store %arg7[%swap3A_35, %swap3A_36], %broadcast_in_dim3A_3 {strides = array<i32>} : memref<16x1024xf32, #tpu.memory_space<vmem>>, vector<16xf32>,
      %mul3A_38 = arith.constant 16 : i32
      %mul3A_39 = arith.muli %scan3A_26, %mul3A_38 : i32
      %swap3A_40 = arith.constant 2 : i32
      %swap3A_41 = arith.index_cast %swap3A_40 : i32 to index
      %swap3A_42 = arith.index_cast %mul3A_39 : i32 to index
      %swap3A_43 = tpu.vector_load %arg7[%swap3A_41, %swap3A_42] {strides = array<i32>} : memref<16x1024xf32, #tpu.memory_space<vmem>>, vector<16xf32>,
      tpu.vector_store %arg7[%swap3A_41, %swap3A_42], %broadcast_in_dim3A_3 {strides = array<i32>} : memref<16x1024xf32, #tpu.memory_space<vmem>>, vector<16xf32>,
      %mul3A_44 = arith.constant 16 : i32
      %mul3A_45 = arith.muli %scan3A_26, %mul3A_44 : i32
      %swap3A_46 = arith.constant 3 : i32
      %swap3A_47 = arith.index_cast %swap3A_46 : i32 to index
      %swap3A_48 = arith.index_cast %mul3A_45 : i32 to index
      %swap3A_49 = tpu.vector_load %arg7[%swap3A_47, %swap3A_48] {strides = array<i32>} : memref<16x1024xf32, #tpu.memory_space<vmem>>, vector<16xf32>,
      tpu.vector_store %arg7[%swap3A_47, %swap3A_48], %broadcast_in_dim3A_3 {strides = array<i32>} : memref<16x1024xf32, #tpu.memory_space<vmem>>, vector<16xf32>,
      %mul3A_50 = arith.constant 16 : i32
      %mul3A_51 = arith.muli %scan3A_26, %mul3A_50 : i32
      %swap3A_52 = arith.constant 4 : i32
      %swap3A_53 = arith.index_cast %swap3A_52 : i32 to index
      %swap3A_54 = arith.index_cast %mul3A_51 : i32 to index
      %swap3A_55 = tpu.vector_load %arg7[%swap3A_53, %swap3A_54] {strides = array<i32>} : memref<16x1024xf32, #tpu.memory_space<vmem>>, vector<16xf32>,
      tpu.vector_store %arg7[%swap3A_53, %swap3A_54], %broadcast_in_dim3A_3 {strides = array<i32>} : memref<16x1024xf32, #tpu.memory_space<vmem>>, vector<16xf32>,
      %mul3A_56 = arith.constant 16 : i32
      %mul3A_57 = arith.muli %scan3A_26, %mul3A_56 : i32
      %swap3A_58 = arith.constant 5 : i32
      %swap3A_59 = arith.index_cast %swap3A_58 : i32 to index
      %swap3A_60 = arith.index_cast %mul3A_57 : i32 to index
      %swap3A_61 = tpu.vector_load %arg7[%swap3A_59, %swap3A_60] {strides = array<i32>} : memref<16x1024xf32, #tpu.memory_space<vmem>>, vector<16xf32>,
      tpu.vector_store %arg7[%swap3A_59, %swap3A_60], %broadcast_in_dim3A_3 {strides = array<i32>} : memref<16x1024xf32, #tpu.memory_space<vmem>>, vector<16xf32>,
      %mul3A_62 = arith.constant 16 : i32
      %mul3A_63 = arith.muli %scan3A_26, %mul3A_62 : i32
      %swap3A_64 = arith.constant 6 : i32
      %swap3A_65 = arith.index_cast %swap3A_64 : i32 to index
      %swap3A_66 = arith.index_cast %mul3A_63 : i32 to index
      %swap3A_67 = tpu.vector_load %arg7[%swap3A_65, %swap3A_66] {strides = array<i32>} : memref<16x1024xf32, #tpu.memory_space<vmem>>, vector<16xf32>,
      tpu.vector_store %arg7[%swap3A_65, %swap3A_66], %broadcast_in_dim3A_3 {strides = array<i32>} : memref<16x1024xf32, #tpu.memory_space<vmem>>, vector<16xf32>,
      %mul3A_68 = arith.constant 16 : i32
      %mul3A_69 = arith.muli %scan3A_26, %mul3A_68 : i32
      %swap3A_70 = arith.constant 7 : i32
      %swap3A_71 = arith.index_cast %swap3A_70 : i32 to index
      %swap3A_72 = arith.index_cast %mul3A_69 : i32 to index
      %swap3A_73 = tpu.vector_load %arg7[%swap3A_71, %swap3A_72] {strides = array<i32>} : memref<16x1024xf32, #tpu.memory_space<vmem>>, vector<16xf32>,
      tpu.vector_store %arg7[%swap3A_71, %swap3A_72], %broadcast_in_dim3A_3 {strides = array<i32>} : memref<16x1024xf32, #tpu.memory_space<vmem>>, vector<16xf32>,
      %mul3A_74 = arith.constant 16 : i32
      %mul3A_75 = arith.muli %scan3A_26, %mul3A_74 : i32
      %swap3A_76 = arith.constant 8 : i32
      %swap3A_77 = arith.index_cast %swap3A_76 : i32 to index
      %swap3A_78 = arith.index_cast %mul3A_75 : i32 to index
      %swap3A_79 = tpu.vector_load %arg7[%swap3A_77, %swap3A_78] {strides = array<i32>} : memref<16x1024xf32, #tpu.memory_space<vmem>>, vector<16xf32>,
      tpu.vector_store %arg7[%swap3A_77, %swap3A_78], %broadcast_in_dim3A_3 {strides = array<i32>} : memref<16x1024xf32, #tpu.memory_space<vmem>>, vector<16xf32>,
      %mul3A_80 = arith.constant 16 : i32
      %mul3A_81 = arith.muli %scan3A_26, %mul3A_80 : i32
      %swap3A_82 = arith.constant 9 : i32
      %swap3A_83 = arith.index_cast %swap3A_82 : i32 to index
      %swap3A_84 = arith.index_cast %mul3A_81 : i32 to index
      %swap3A_85 = tpu.vector_load %arg7[%swap3A_83, %swap3A_84] {strides = array<i32>} : memref<16x1024xf32, #tpu.memory_space<vmem>>, vector<16xf32>,
      tpu.vector_store %arg7[%swap3A_83, %swap3A_84], %broadcast_in_dim3A_3 {strides = array<i32>} : memref<16x1024xf32, #tpu.memory_space<vmem>>, vector<16xf32>,
      %mul3A_86 = arith.constant 16 : i32
      %mul3A_87 = arith.muli %scan3A_26, %mul3A_86 : i32
      %swap3A_88 = arith.constant 10 : i32
      %swap3A_89 = arith.index_cast %swap3A_88 : i32 to index
      %swap3A_90 = arith.index_cast %mul3A_87 : i32 to index
      %swap3A_91 = tpu.vector_load %arg7[%swap3A_89, %swap3A_90] {strides = array<i32>} : memref<16x1024xf32, #tpu.memory_space<vmem>>, vector<16xf32>,
      tpu.vector_store %arg7[%swap3A_89, %swap3A_90], %broadcast_in_dim3A_3 {strides = array<i32>} : memref<16x1024xf32, #tpu.memory_space<vmem>>, vector<16xf32>,
      %mul3A_92 = arith.constant 16 : i32
      %mul3A_93 = arith.muli %scan3A_26, %mul3A_92 : i32
      %swap3A_94 = arith.constant 11 : i32
      %swap3A_95 = arith.index_cast %swap3A_94 : i32 to index
      %swap3A_96 = arith.index_cast %mul3A_93 : i32 to index
      %swap3A_97 = tpu.vector_load %arg7[%swap3A_95, %swap3A_96] {strides = array<i32>} : memref<16x1024xf32, #tpu.memory_space<vmem>>, vector<16xf32>,
      tpu.vector_store %arg7[%swap3A_95, %swap3A_96], %broadcast_in_dim3A_3 {strides = array<i32>} : memref<16x1024xf32, #tpu.memory_space<vmem>>, vector<16xf32>,
      %mul3A_98 = arith.constant 16 : i32
      %mul3A_99 = arith.muli %scan3A_26, %mul3A_98 : i32
      %swap3A_100 = arith.constant 12 : i32
      %swap3A_101 = arith.index_cast %swap3A_100 : i32 to index
      %swap3A_102 = arith.index_cast %mul3A_99 : i32 to index
      %swap3A_103 = tpu.vector_load %arg7[%swap3A_101, %swap3A_102] {strides = array<i32>} : memref<16x1024xf32, #tpu.memory_space<vmem>>, vector<16xf32>,
      tpu.vector_store %arg7[%swap3A_101, %swap3A_102], %broadcast_in_dim3A_3 {strides = array<i32>} : memref<16x1024xf32, #tpu.memory_space<vmem>>, vector<16xf32>,
      %mul3A_104 = arith.constant 16 : i32
      %mul3A_105 = arith.muli %scan3A_26, %mul3A_104 : i32
      %swap3A_106 = arith.constant 13 : i32
      %swap3A_107 = arith.index_cast %swap3A_106 : i32 to index
      %swap3A_108 = arith.index_cast %mul3A_105 : i32 to index
      %swap3A_109 = tpu.vector_load %arg7[%swap3A_107, %swap3A_108] {strides = array<i32>} : memref<16x1024xf32, #tpu.memory_space<vmem>>, vector<16xf32>,
      tpu.vector_store %arg7[%swap3A_107, %swap3A_108], %broadcast_in_dim3A_3 {strides = array<i32>} : memref<16x1024xf32, #tpu.memory_space<vmem>>, vector<16xf32>,
      %mul3A_110 = arith.constant 16 : i32
      %mul3A_111 = arith.muli %scan3A_26, %mul3A_110 : i32
      %swap3A_112 = arith.constant 14 : i32
      %swap3A_113 = arith.index_cast %swap3A_112 : i32 to index
      %swap3A_114 = arith.index_cast %mul3A_111 : i32 to index
      %swap3A_115 = tpu.vector_load %arg7[%swap3A_113, %swap3A_114] {strides = array<i32>} : memref<16x1024xf32, #tpu.memory_space<vmem>>, vector<16xf32>,
      tpu.vector_store %arg7[%swap3A_113, %swap3A_114], %broadcast_in_dim3A_3 {strides = array<i32>} : memref<16x1024xf32, #tpu.memory_space<vmem>>, vector<16xf32>,
      %mul3A_116 = arith.constant 16 : i32
      %mul3A_117 = arith.muli %scan3A_26, %mul3A_116 : i32
      %swap3A_118 = arith.constant 15 : i32
      %swap3A_119 = arith.index_cast %swap3A_118 : i32 to index
      %swap3A_120 = arith.index_cast %mul3A_117 : i32 to index
      %swap3A_121 = tpu.vector_load %arg7[%swap3A_119, %swap3A_120] {strides = array<i32>} : memref<16x1024xf32, #tpu.memory_space<vmem>>, vector<16xf32>,
      tpu.vector_store %arg7[%swap3A_119, %swap3A_120], %broadcast_in_dim3A_3 {strides = array<i32>} : memref<16x1024xf32, #tpu.memory_space<vmem>>, vector<16xf32>,
    }
    %scan3A_8 = arith.constant 64 : i32
    %scan3A_9 = arith.constant 0 : i32
    %scan3A_10 = arith.constant 0 : i32
    %scan3A_11 = arith.constant 312 : i32
    %scan3A_12 = arith.addi %scan3A_10, %scan3A_11 : i32
    %scan3A_13 = arith.constant 1 : i32
    scf.for %scan3A_26 = %scan3A_10 to %scan3A_12 step %scan3A_13  : i32 {
      %mul3A_27 = arith.constant 16 : i32
      %mul3A_28 = arith.muli %scan3A_26, %mul3A_27 : i32
      %get3A_29 = arith.index_cast %mul3A_28 : i32 to index
      %get3A_30 = tpu.vector_load %arg5[%get3A_29] {strides = array<i32>} : memref<5008xf32, #tpu.memory_space<vmem>>, vector<16xf32>,
      %mul3A_31 = arith.constant 16 : i32
      %mul3A_32 = arith.muli %scan3A_26, %mul3A_31 : i32
      %get3A_33 = arith.index_cast %mul3A_32 : i32 to index
      %get3A_34 = tpu.vector_load %arg6[%get3A_33] {strides = array<i32>} : memref<5008xi32, #tpu.memory_space<vmem>>, vector<16xi32>,
      tpu.vector_store_idx %arg7[%iota3A, %get3A_34], %get3A_30 {add = true} : memref<16x1024xf32, #tpu.memory_space<vmem>>[vector<16xi32>, vector<16xi32>], vector<16xf32>,
    }
    %scan3A_14 = arith.constant 312 : i32
    %get3A = arith.constant 4992 : index
    %get3A_15 = tpu.vector_load %arg5[%get3A] {strides = array<i32>} : memref<5008xf32, #tpu.memory_space<vmem>>, vector<16xf32>,
    %get3A_16 = arith.constant 4992 : index
    %get3A_17 = tpu.vector_load %arg6[%get3A_16] {strides = array<i32>} : memref<5008xi32, #tpu.memory_space<vmem>>, vector<16xi32>,
    %lt3A = arith.constant 8 : i32
    %lt3A_18 = vector.broadcast %lt3A : i32 to vector<16xi32>
    %lt3A_19 = arith.cmpi slt, %iota3A, %lt3A_18 : vector<16xi32>
    tpu.vector_store_idx %arg7[%iota3A, %get3A_17], %get3A_15 masked %lt3A_19 {add = true} : memref<16x1024xf32, #tpu.memory_space<vmem>>[vector<16xi32>, vector<16xi32>], vector<16xf32>, vector<16xi1>
    %scan3A_20 = arith.constant 0 : i32
    %scan3A_21 = arith.constant 0 : i32
    %scan3A_22 = arith.constant 64 : i32
    %scan3A_23 = arith.addi %scan3A_21, %scan3A_22 : i32
    %scan3A_24 = arith.constant 1 : i32
    scf.for %scan3A_26 = %scan3A_21 to %scan3A_23 step %scan3A_24  : i32 {
      %mul3A_27 = arith.constant 16 : i32
      %mul3A_28 = arith.muli %scan3A_26, %mul3A_27 : i32
      %get3A_29 = arith.constant 0 : i32
      %get3A_30 = arith.index_cast %get3A_29 : i32 to index
      %get3A_31 = arith.index_cast %mul3A_28 : i32 to index
      %get3A_32 = tpu.vector_load %arg7[%get3A_30, %get3A_31] {strides = array<i32>} : memref<16x1024xf32, #tpu.memory_space<vmem>>, vector<16xf32>,
      %mul3A_33 = arith.constant 16 : i32
      %mul3A_34 = arith.muli %scan3A_26, %mul3A_33 : i32
      %get3A_35 = arith.constant 1 : i32
      %get3A_36 = arith.index_cast %get3A_35 : i32 to index
      %get3A_37 = arith.index_cast %mul3A_34 : i32 to index
      %get3A_38 = tpu.vector_load %arg7[%get3A_36, %get3A_37] {strides = array<i32>} : memref<16x1024xf32, #tpu.memory_space<vmem>>, vector<16xf32>,
      %add3A_39 = arith.addf %get3A_32, %get3A_38 : vector<16xf32>
      %mul3A_40 = arith.constant 16 : i32
      %mul3A_41 = arith.muli %scan3A_26, %mul3A_40 : i32
      %get3A_42 = arith.constant 2 : i32
      %get3A_43 = arith.index_cast %get3A_42 : i32 to index
      %get3A_44 = arith.index_cast %mul3A_41 : i32 to index
      %get3A_45 = tpu.vector_load %arg7[%get3A_43, %get3A_44] {strides = array<i32>} : memref<16x1024xf32, #tpu.memory_space<vmem>>, vector<16xf32>,
      %add3A_46 = arith.addf %add3A_39, %get3A_45 : vector<16xf32>
      %mul3A_47 = arith.constant 16 : i32
      %mul3A_48 = arith.muli %scan3A_26, %mul3A_47 : i32
      %get3A_49 = arith.constant 3 : i32
      %get3A_50 = arith.index_cast %get3A_49 : i32 to index
      %get3A_51 = arith.index_cast %mul3A_48 : i32 to index
      %get3A_52 = tpu.vector_load %arg7[%get3A_50, %get3A_51] {strides = array<i32>} : memref<16x1024xf32, #tpu.memory_space<vmem>>, vector<16xf32>,
      %add3A_53 = arith.addf %add3A_46, %get3A_52 : vector<16xf32>
      %mul3A_54 = arith.constant 16 : i32
      %mul3A_55 = arith.muli %scan3A_26, %mul3A_54 : i32
      %get3A_56 = arith.constant 4 : i32
      %get3A_57 = arith.index_cast %get3A_56 : i32 to index
      %get3A_58 = arith.index_cast %mul3A_55 : i32 to index
      %get3A_59 = tpu.vector_load %arg7[%get3A_57, %get3A_58] {strides = array<i32>} : memref<16x1024xf32, #tpu.memory_space<vmem>>, vector<16xf32>,
      %add3A_60 = arith.addf %add3A_53, %get3A_59 : vector<16xf32>
      %mul3A_61 = arith.constant 16 : i32
      %mul3A_62 = arith.muli %scan3A_26, %mul3A_61 : i32
      %get3A_63 = arith.constant 5 : i32
      %get3A_64 = arith.index_cast %get3A_63 : i32 to index
      %get3A_65 = arith.index_cast %mul3A_62 : i32 to index
      %get3A_66 = tpu.vector_load %arg7[%get3A_64, %get3A_65] {strides = array<i32>} : memref<16x1024xf32, #tpu.memory_space<vmem>>, vector<16xf32>,
      %add3A_67 = arith.addf %add3A_60, %get3A_66 : vector<16xf32>
      %mul3A_68 = arith.constant 16 : i32
      %mul3A_69 = arith.muli %scan3A_26, %mul3A_68 : i32
      %get3A_70 = arith.constant 6 : i32
      %get3A_71 = arith.index_cast %get3A_70 : i32 to index
      %get3A_72 = arith.index_cast %mul3A_69 : i32 to index
      %get3A_73 = tpu.vector_load %arg7[%get3A_71, %get3A_72] {strides = array<i32>} : memref<16x1024xf32, #tpu.memory_space<vmem>>, vector<16xf32>,
      %add3A_74 = arith.addf %add3A_67, %get3A_73 : vector<16xf32>
      %mul3A_75 = arith.constant 16 : i32
      %mul3A_76 = arith.muli %scan3A_26, %mul3A_75 : i32
      %get3A_77 = arith.constant 7 : i32
      %get3A_78 = arith.index_cast %get3A_77 : i32 to index
      %get3A_79 = arith.index_cast %mul3A_76 : i32 to index
      %get3A_80 = tpu.vector_load %arg7[%get3A_78, %get3A_79] {strides = array<i32>} : memref<16x1024xf32, #tpu.memory_space<vmem>>, vector<16xf32>,
      %add3A_81 = arith.addf %add3A_74, %get3A_80 : vector<16xf32>
      %mul3A_82 = arith.constant 16 : i32
      %mul3A_83 = arith.muli %scan3A_26, %mul3A_82 : i32
      %get3A_84 = arith.constant 8 : i32
      %get3A_85 = arith.index_cast %get3A_84 : i32 to index
      %get3A_86 = arith.index_cast %mul3A_83 : i32 to index
      %get3A_87 = tpu.vector_load %arg7[%get3A_85, %get3A_86] {strides = array<i32>} : memref<16x1024xf32, #tpu.memory_space<vmem>>, vector<16xf32>,
      %add3A_88 = arith.addf %add3A_81, %get3A_87 : vector<16xf32>
      %mul3A_89 = arith.constant 16 : i32
      %mul3A_90 = arith.muli %scan3A_26, %mul3A_89 : i32
      %get3A_91 = arith.constant 9 : i32
      %get3A_92 = arith.index_cast %get3A_91 : i32 to index
      %get3A_93 = arith.index_cast %mul3A_90 : i32 to index
      %get3A_94 = tpu.vector_load %arg7[%get3A_92, %get3A_93] {strides = array<i32>} : memref<16x1024xf32, #tpu.memory_space<vmem>>, vector<16xf32>,
      %add3A_95 = arith.addf %add3A_88, %get3A_94 : vector<16xf32>
      %mul3A_96 = arith.constant 16 : i32
      %mul3A_97 = arith.muli %scan3A_26, %mul3A_96 : i32
      %get3A_98 = arith.constant 10 : i32
      %get3A_99 = arith.index_cast %get3A_98 : i32 to index
      %get3A_100 = arith.index_cast %mul3A_97 : i32 to index
      %get3A_101 = tpu.vector_load %arg7[%get3A_99, %get3A_100] {strides = array<i32>} : memref<16x1024xf32, #tpu.memory_space<vmem>>, vector<16xf32>,
      %add3A_102 = arith.addf %add3A_95, %get3A_101 : vector<16xf32>
      %mul3A_103 = arith.constant 16 : i32
      %mul3A_104 = arith.muli %scan3A_26, %mul3A_103 : i32
      %get3A_105 = arith.constant 11 : i32
      %get3A_106 = arith.index_cast %get3A_105 : i32 to index
      %get3A_107 = arith.index_cast %mul3A_104 : i32 to index
      %get3A_108 = tpu.vector_load %arg7[%get3A_106, %get3A_107] {strides = array<i32>} : memref<16x1024xf32, #tpu.memory_space<vmem>>, vector<16xf32>,
      %add3A_109 = arith.addf %add3A_102, %get3A_108 : vector<16xf32>
      %mul3A_110 = arith.constant 16 : i32
      %mul3A_111 = arith.muli %scan3A_26, %mul3A_110 : i32
      %get3A_112 = arith.constant 12 : i32
      %get3A_113 = arith.index_cast %get3A_112 : i32 to index
      %get3A_114 = arith.index_cast %mul3A_111 : i32 to index
      %get3A_115 = tpu.vector_load %arg7[%get3A_113, %get3A_114] {strides = array<i32>} : memref<16x1024xf32, #tpu.memory_space<vmem>>, vector<16xf32>,
      %add3A_116 = arith.addf %add3A_109, %get3A_115 : vector<16xf32>
      %mul3A_117 = arith.constant 16 : i32
      %mul3A_118 = arith.muli %scan3A_26, %mul3A_117 : i32
      %get3A_119 = arith.constant 13 : i32
      %get3A_120 = arith.index_cast %get3A_119 : i32 to index
      %get3A_121 = arith.index_cast %mul3A_118 : i32 to index
      %get3A_122 = tpu.vector_load %arg7[%get3A_120, %get3A_121] {strides = array<i32>} : memref<16x1024xf32, #tpu.memory_space<vmem>>, vector<16xf32>,
      %add3A_123 = arith.addf %add3A_116, %get3A_122 : vector<16xf32>
      %mul3A_124 = arith.constant 16 : i32
      %mul3A_125 = arith.muli %scan3A_26, %mul3A_124 : i32
      %get3A_126 = arith.constant 14 : i32
      %get3A_127 = arith.index_cast %get3A_126 : i32 to index
      %get3A_128 = arith.index_cast %mul3A_125 : i32 to index
      %get3A_129 = tpu.vector_load %arg7[%get3A_127, %get3A_128] {strides = array<i32>} : memref<16x1024xf32, #tpu.memory_space<vmem>>, vector<16xf32>,
      %add3A_130 = arith.addf %add3A_123, %get3A_129 : vector<16xf32>
      %mul3A_131 = arith.constant 16 : i32
      %mul3A_132 = arith.muli %scan3A_26, %mul3A_131 : i32
      %get3A_133 = arith.constant 15 : i32
      %get3A_134 = arith.index_cast %get3A_133 : i32 to index
      %get3A_135 = arith.index_cast %mul3A_132 : i32 to index
      %get3A_136 = tpu.vector_load %arg7[%get3A_134, %get3A_135] {strides = array<i32>} : memref<16x1024xf32, #tpu.memory_space<vmem>>, vector<16xf32>,
      %add3A_137 = arith.addf %add3A_130, %get3A_136 : vector<16xf32>
      %swap3A = arith.index_cast %scan3A_26 : i32 to index
      %swap3A_138 = arith.constant 0 : index
      %swap3A_139 = tpu.vector_load %arg8[%swap3A, %swap3A_138] {strides = array<i32>} : memref<64x16xf32, #tpu.memory_space<vmem>>, vector<16xf32>,
      tpu.vector_store %arg8[%swap3A, %swap3A_138], %add3A_137 {strides = array<i32>} : memref<64x16xf32, #tpu.memory_space<vmem>>, vector<16xf32>,
    }
    %scan3A_25 = arith.constant 64 : i32
    "tpu.region"() ({
      %run_scoped3A = tpu.sem_alloc : memref<!tpu.dma_semaphore, #tpu.memory_space<semaphore_mem>>
      %dma_start3A = arith.constant 0 : i32
      %dma_start3A_26 = arith.constant 0 : i32
      %dma_start3A_27 = tpu.memref_slice %arg4[%add3A, %dma_start3A, %dma_start3A_26] : memref<32x64x16xf32, #tpu.memory_space<hbm>> -> memref<1x64x16xf32, #tpu.memory_space<hbm>>
      %dma_start3A_28 = tpu.memref_squeeze %dma_start3A_27 : memref<1x64x16xf32, #tpu.memory_space<hbm>> -> memref<64x16xf32, #tpu.memory_space<hbm>>
      %dma_start3A_29 = arith.constant 0 : i32
      %dma_start3A_30 = arith.constant 0 : i32
      %dma_start3A_31 = tpu.memref_slice %arg4[%add3A, %dma_start3A_29, %dma_start3A_30] : memref<32x64x16xf32, #tpu.memory_space<hbm>> -> memref<1x64x16xf32, #tpu.memory_space<hbm>>
      %dma_start3A_32 = tpu.memref_squeeze %dma_start3A_31 : memref<1x64x16xf32, #tpu.memory_space<hbm>> -> memref<64x16xf32, #tpu.memory_space<hbm>>
      tpu.enqueue_dma source(%arg8 : memref<64x16xf32, #tpu.memory_space<vmem>>) target(%dma_start3A_32 : memref<64x16xf32, #tpu.memory_space<hbm>>) target_semaphore(%run_scoped3A : memref<!tpu.dma_semaphore, #tpu.memory_space<semaphore_mem>>)
      %dma_wait3A = arith.constant 0 : i32
      %dma_wait3A_33 = arith.constant 0 : i32
      %dma_wait3A_34 = tpu.memref_slice %arg4[%add3A, %dma_wait3A, %dma_wait3A_33] : memref<32x64x16xf32, #tpu.memory_space<hbm>> -> memref<1x64x16xf32, #tpu.memory_space<hbm>>
      %dma_wait3A_35 = tpu.memref_squeeze %dma_wait3A_34 : memref<1x64x16xf32, #tpu.memory_space<hbm>> -> memref<64x16xf32, #tpu.memory_space<hbm>>
      %dma_wait3A_36 = arith.constant 0 : i32
      %dma_wait3A_37 = arith.constant 0 : i32
      %dma_wait3A_38 = tpu.memref_slice %arg4[%add3A, %dma_wait3A_36, %dma_wait3A_37] : memref<32x64x16xf32, #tpu.memory_space<hbm>> -> memref<1x64x16xf32, #tpu.memory_space<hbm>>
      %dma_wait3A_39 = tpu.memref_squeeze %dma_wait3A_38 : memref<1x64x16xf32, #tpu.memory_space<hbm>> -> memref<64x16xf32, #tpu.memory_space<hbm>>
      tpu.wait_dma2 semaphore(%run_scoped3A : memref<!tpu.dma_semaphore, #tpu.memory_space<semaphore_mem>>) src(%arg8 : memref<64x16xf32, #tpu.memory_space<vmem>>) dst(%dma_wait3A_39 : memref<64x16xf32, #tpu.memory_space<hbm>>)
      tpu.yield
    }) : () -> ()
    return
  }
}

module attributes {stable_mosaic.version = 14 : i64} {
  func.func @_mlp_body(%arg0: i32, %arg1: memref<8000x256xf32, #tpu.memory_space<vmem>>, %arg2: memref<256x512xf32, #tpu.memory_space<vmem>>, %arg3: memref<1x512xf32, #tpu.memory_space<vmem>>, %arg4: memref<512x512xf32, #tpu.memory_space<vmem>>, %arg5: memref<1x512xf32, #tpu.memory_space<vmem>>, %arg6: memref<512x1xf32, #tpu.memory_space<vmem>>, %arg7: memref<1x8000x1xf32, #tpu.memory_space<vmem>>, %arg8: memref<256x512xf32, #tpu.memory_space<vmem>>, %arg9: memref<1x512xf32, #tpu.memory_space<vmem>>, %arg10: memref<512x512xf32, #tpu.memory_space<vmem>>, %arg11: memref<1x512xf32, #tpu.memory_space<vmem>>) attributes {dimension_semantics = [#tpu.dimension_semantics<arbitrary>], iteration_bounds = array<i64: 20>, scalar_prefetch = 0 : i64, scratch_operands = 4 : i64, tpu.core_type = #tpu.core_type<tc>, window_params = [{transform_indices = @transform_0, window_bounds = array<i64: 8000, 256>}, {pipeline_mode = #tpu.pipeline_mode<synchronous>, transform_indices = @transform_1, window_bounds = array<i64: 256, 512>}, {pipeline_mode = #tpu.pipeline_mode<synchronous>, transform_indices = @transform_2, window_bounds = array<i64: 1, 512>}, {pipeline_mode = #tpu.pipeline_mode<synchronous>, transform_indices = @transform_3, window_bounds = array<i64: 512, 512>}, {pipeline_mode = #tpu.pipeline_mode<synchronous>, transform_indices = @transform_4, window_bounds = array<i64: 1, 512>}, {pipeline_mode = #tpu.pipeline_mode<synchronous>, transform_indices = @transform_5, window_bounds = array<i64: 512, 1>}, {transform_indices = @transform_6, window_bounds = array<i64: 1, 8000, 1>}]} {
    %eq3A = arith.constant 0 : i32
    %eq3A_0 = arith.cmpi eq, %arg0, %eq3A : i32
    %convert_element_type3A = arith.extui %eq3A_0 : i1 to i32
    %cond3A = arith.constant 0 : i32
    %cond3A_1 = arith.cmpi ne, %convert_element_type3A, %cond3A : i32
    scf.if %cond3A_1 {
      %get3A_150 = arith.constant 0 : index
      %get3A_151 = arith.constant 0 : index
      %get3A_152 = vector.load %arg2[%get3A_150, %get3A_151] : memref<256x512xf32, #tpu.memory_space<vmem>>, vector<256x512xf32>
      %mul3A_153 = arith.constant 5.000000e-01 : f32
      %mul3A_154 = vector.broadcast %mul3A_153 : f32 to vector<256x512xf32>
      %mul3A_155 = arith.mulf %get3A_152, %mul3A_154 : vector<256x512xf32>
      %swap3A_156 = arith.constant 0 : index
      %swap3A_157 = arith.constant 0 : index
      %swap3A_158 = vector.load %arg8[%swap3A_156, %swap3A_157] : memref<256x512xf32, #tpu.memory_space<vmem>>, vector<256x512xf32>
      tpu.vector_store %arg8[%swap3A_156, %swap3A_157], %mul3A_155 {strides = array<i32>} : memref<256x512xf32, #tpu.memory_space<vmem>>, vector<256x512xf32>,
      %get3A_159 = arith.constant 0 : index
      %get3A_160 = arith.constant 0 : index
      %get3A_161 = vector.load %arg3[%get3A_159, %get3A_160] : memref<1x512xf32, #tpu.memory_space<vmem>>, vector<1x512xf32>
      %mul3A_162 = arith.constant 5.000000e-01 : f32
      %mul3A_163 = vector.broadcast %mul3A_162 : f32 to vector<1x512xf32>
      %mul3A_164 = arith.mulf %get3A_161, %mul3A_163 : vector<1x512xf32>
      %swap3A_165 = arith.constant 0 : index
      %swap3A_166 = arith.constant 0 : index
      %swap3A_167 = vector.load %arg9[%swap3A_165, %swap3A_166] : memref<1x512xf32, #tpu.memory_space<vmem>>, vector<1x512xf32>
      tpu.vector_store %arg9[%swap3A_165, %swap3A_166], %mul3A_164 {strides = array<i32>} : memref<1x512xf32, #tpu.memory_space<vmem>>, vector<1x512xf32>,
      %get3A_168 = arith.constant 0 : index
      %get3A_169 = arith.constant 0 : index
      %get3A_170 = vector.load %arg4[%get3A_168, %get3A_169] : memref<512x512xf32, #tpu.memory_space<vmem>>, vector<512x512xf32>
      %mul3A_171 = arith.constant 5.000000e-01 : f32
      %mul3A_172 = vector.broadcast %mul3A_171 : f32 to vector<512x512xf32>
      %mul3A_173 = arith.mulf %get3A_170, %mul3A_172 : vector<512x512xf32>
      %swap3A_174 = arith.constant 0 : index
      %swap3A_175 = arith.constant 0 : index
      %swap3A_176 = vector.load %arg10[%swap3A_174, %swap3A_175] : memref<512x512xf32, #tpu.memory_space<vmem>>, vector<512x512xf32>
      tpu.vector_store %arg10[%swap3A_174, %swap3A_175], %mul3A_173 {strides = array<i32>} : memref<512x512xf32, #tpu.memory_space<vmem>>, vector<512x512xf32>,
      %get3A_177 = arith.constant 0 : index
      %get3A_178 = arith.constant 0 : index
      %get3A_179 = vector.load %arg5[%get3A_177, %get3A_178] : memref<1x512xf32, #tpu.memory_space<vmem>>, vector<1x512xf32>
      %mul3A_180 = arith.constant 5.000000e-01 : f32
      %mul3A_181 = vector.broadcast %mul3A_180 : f32 to vector<1x512xf32>
      %mul3A_182 = arith.mulf %get3A_179, %mul3A_181 : vector<1x512xf32>
      %swap3A_183 = arith.constant 0 : index
      %swap3A_184 = arith.constant 0 : index
      %swap3A_185 = vector.load %arg11[%swap3A_183, %swap3A_184] : memref<1x512xf32, #tpu.memory_space<vmem>>, vector<1x512xf32>
      tpu.vector_store %arg11[%swap3A_183, %swap3A_184], %mul3A_182 {strides = array<i32>} : memref<1x512xf32, #tpu.memory_space<vmem>>, vector<1x512xf32>,
    } else {
    }
    %get3A = arith.constant 0 : index
    %get3A_2 = arith.constant 0 : index
    %get3A_3 = vector.load %arg1[%get3A, %get3A_2] : memref<8000x256xf32, #tpu.memory_space<vmem>>, vector<8000x256xf32>
    %slice3A = vector.extract_strided_slice %get3A_3 {offsets = [0, 0], sizes = [2000, 256], strides = [1, 1]} : vector<8000x256xf32> to vector<2000x256xf32>
    %get3A_4 = arith.constant 0 : index
    %get3A_5 = arith.constant 0 : index
    %get3A_6 = vector.load %arg8[%get3A_4, %get3A_5] : memref<256x512xf32, #tpu.memory_space<vmem>>, vector<256x512xf32>
    %dot_general3A = arith.constant dense<0.000000e+00> : vector<2000x512xf32>
    %dot_general3A_7 = tpu.matmul %slice3A, %get3A_6, %dot_general3A {dimension_numbers = #tpu.dot_dimension_numbers<[1], [0], [0], [1], [0, 0, 1, 1], [], []>, transpose_lhs_hint = false} : vector<2000x256xf32>, vector<256x512xf32>, vector<2000x512xf32> -> vector<2000x512xf32>
    %get3A_8 = arith.constant 0 : index
    %get3A_9 = arith.constant 0 : index
    %get3A_10 = vector.load %arg9[%get3A_8, %get3A_9] : memref<1x512xf32, #tpu.memory_space<vmem>>, vector<1x512xf32>
    %add3A = vector.broadcast %get3A_10 : vector<1x512xf32> to vector<2000x512xf32>
    %add3A_11 = arith.addf %dot_general3A_7, %add3A : vector<2000x512xf32>
    %tanh3A = math.tanh %add3A_11 : vector<2000x512xf32>
    %mul3A = arith.mulf %add3A_11, %tanh3A : vector<2000x512xf32>
    %add3A_12 = arith.addf %add3A_11, %mul3A : vector<2000x512xf32>
    %get3A_13 = arith.constant 0 : index
    %get3A_14 = arith.constant 0 : index
    %get3A_15 = vector.load %arg10[%get3A_13, %get3A_14] : memref<512x512xf32, #tpu.memory_space<vmem>>, vector<512x512xf32>
    %dot_general3A_16 = arith.constant dense<0.000000e+00> : vector<2000x512xf32>
    %dot_general3A_17 = tpu.matmul %add3A_12, %get3A_15, %dot_general3A_16 {dimension_numbers = #tpu.dot_dimension_numbers<[1], [0], [0], [1], [0, 0, 1, 1], [], []>, transpose_lhs_hint = false} : vector<2000x512xf32>, vector<512x512xf32>, vector<2000x512xf32> -> vector<2000x512xf32>
    %get3A_18 = arith.constant 0 : index
    %get3A_19 = arith.constant 0 : index
    %get3A_20 = vector.load %arg11[%get3A_18, %get3A_19] : memref<1x512xf32, #tpu.memory_space<vmem>>, vector<1x512xf32>
    %add3A_21 = vector.broadcast %get3A_20 : vector<1x512xf32> to vector<2000x512xf32>
    %add3A_22 = arith.addf %dot_general3A_17, %add3A_21 : vector<2000x512xf32>
    %tanh3A_23 = math.tanh %add3A_22 : vector<2000x512xf32>
    %mul3A_24 = arith.mulf %add3A_22, %tanh3A_23 : vector<2000x512xf32>
    %add3A_25 = arith.addf %add3A_22, %mul3A_24 : vector<2000x512xf32>
    %get3A_26 = arith.constant 0 : index
    %get3A_27 = arith.constant 0 : index
    %get3A_28 = vector.load %arg6[%get3A_26, %get3A_27] : memref<512x1xf32, #tpu.memory_space<vmem>>, vector<512x1xf32>
    %dot_general3A_29 = arith.constant dense<0.000000e+00> : vector<2000x1xf32>
    %dot_general3A_30 = tpu.matmul %add3A_25, %get3A_28, %dot_general3A_29 {dimension_numbers = #tpu.dot_dimension_numbers<[1], [0], [0], [1], [0, 0, 1, 1], [], []>, transpose_lhs_hint = false} : vector<2000x512xf32>, vector<512x1xf32>, vector<2000x1xf32> -> vector<2000x1xf32>
    %swap3A = arith.constant 0 : index
    %swap3A_31 = arith.constant 0 : index
    %swap3A_32 = arith.constant 0 : index
    %swap3A_33 = vector.load %arg7[%swap3A, %swap3A_31, %swap3A_32] : memref<1x8000x1xf32, #tpu.memory_space<vmem>>, vector<1x2000x1xf32>
    %swap3A_34 = vector.shape_cast %swap3A_33 : vector<1x2000x1xf32> to vector<2000x1xf32>
    %swap3A_35 = vector.shape_cast %dot_general3A_30 : vector<2000x1xf32> to vector<1x2000x1xf32>
    tpu.vector_store %arg7[%swap3A, %swap3A_31, %swap3A_32], %swap3A_35 {strides = array<i32>} : memref<1x8000x1xf32, #tpu.memory_space<vmem>>, vector<1x2000x1xf32>,
    %slice3A_36 = vector.extract_strided_slice %get3A_3 {offsets = [2000, 0], sizes = [2000, 256], strides = [1, 1]} : vector<8000x256xf32> to vector<2000x256xf32>
    %get3A_37 = arith.constant 0 : index
    %get3A_38 = arith.constant 0 : index
    %get3A_39 = vector.load %arg8[%get3A_37, %get3A_38] : memref<256x512xf32, #tpu.memory_space<vmem>>, vector<256x512xf32>
    %dot_general3A_40 = arith.constant dense<0.000000e+00> : vector<2000x512xf32>
    %dot_general3A_41 = tpu.matmul %slice3A_36, %get3A_39, %dot_general3A_40 {dimension_numbers = #tpu.dot_dimension_numbers<[1], [0], [0], [1], [0, 0, 1, 1], [], []>, transpose_lhs_hint = false} : vector<2000x256xf32>, vector<256x512xf32>, vector<2000x512xf32> -> vector<2000x512xf32>
    %get3A_42 = arith.constant 0 : index
    %get3A_43 = arith.constant 0 : index
    %get3A_44 = vector.load %arg9[%get3A_42, %get3A_43] : memref<1x512xf32, #tpu.memory_space<vmem>>, vector<1x512xf32>
    %add3A_45 = vector.broadcast %get3A_44 : vector<1x512xf32> to vector<2000x512xf32>
    %add3A_46 = arith.addf %dot_general3A_41, %add3A_45 : vector<2000x512xf32>
    %tanh3A_47 = math.tanh %add3A_46 : vector<2000x512xf32>
    %mul3A_48 = arith.mulf %add3A_46, %tanh3A_47 : vector<2000x512xf32>
    %add3A_49 = arith.addf %add3A_46, %mul3A_48 : vector<2000x512xf32>
    %get3A_50 = arith.constant 0 : index
    %get3A_51 = arith.constant 0 : index
    %get3A_52 = vector.load %arg10[%get3A_50, %get3A_51] : memref<512x512xf32, #tpu.memory_space<vmem>>, vector<512x512xf32>
    %dot_general3A_53 = arith.constant dense<0.000000e+00> : vector<2000x512xf32>
    %dot_general3A_54 = tpu.matmul %add3A_49, %get3A_52, %dot_general3A_53 {dimension_numbers = #tpu.dot_dimension_numbers<[1], [0], [0], [1], [0, 0, 1, 1], [], []>, transpose_lhs_hint = false} : vector<2000x512xf32>, vector<512x512xf32>, vector<2000x512xf32> -> vector<2000x512xf32>
    %get3A_55 = arith.constant 0 : index
    %get3A_56 = arith.constant 0 : index
    %get3A_57 = vector.load %arg11[%get3A_55, %get3A_56] : memref<1x512xf32, #tpu.memory_space<vmem>>, vector<1x512xf32>
    %add3A_58 = vector.broadcast %get3A_57 : vector<1x512xf32> to vector<2000x512xf32>
    %add3A_59 = arith.addf %dot_general3A_54, %add3A_58 : vector<2000x512xf32>
    %tanh3A_60 = math.tanh %add3A_59 : vector<2000x512xf32>
    %mul3A_61 = arith.mulf %add3A_59, %tanh3A_60 : vector<2000x512xf32>
    %add3A_62 = arith.addf %add3A_59, %mul3A_61 : vector<2000x512xf32>
    %get3A_63 = arith.constant 0 : index
    %get3A_64 = arith.constant 0 : index
    %get3A_65 = vector.load %arg6[%get3A_63, %get3A_64] : memref<512x1xf32, #tpu.memory_space<vmem>>, vector<512x1xf32>
    %dot_general3A_66 = arith.constant dense<0.000000e+00> : vector<2000x1xf32>
    %dot_general3A_67 = tpu.matmul %add3A_62, %get3A_65, %dot_general3A_66 {dimension_numbers = #tpu.dot_dimension_numbers<[1], [0], [0], [1], [0, 0, 1, 1], [], []>, transpose_lhs_hint = false} : vector<2000x512xf32>, vector<512x1xf32>, vector<2000x1xf32> -> vector<2000x1xf32>
    %swap3A_68 = arith.constant 0 : index
    %swap3A_69 = arith.constant 2000 : index
    %swap3A_70 = arith.constant 0 : index
    %swap3A_71 = vector.load %arg7[%swap3A_68, %swap3A_69, %swap3A_70] : memref<1x8000x1xf32, #tpu.memory_space<vmem>>, vector<1x2000x1xf32>
    %swap3A_72 = vector.shape_cast %swap3A_71 : vector<1x2000x1xf32> to vector<2000x1xf32>
    %swap3A_73 = vector.shape_cast %dot_general3A_67 : vector<2000x1xf32> to vector<1x2000x1xf32>
    tpu.vector_store %arg7[%swap3A_68, %swap3A_69, %swap3A_70], %swap3A_73 {strides = array<i32>} : memref<1x8000x1xf32, #tpu.memory_space<vmem>>, vector<1x2000x1xf32>,
    %slice3A_74 = vector.extract_strided_slice %get3A_3 {offsets = [4000, 0], sizes = [2000, 256], strides = [1, 1]} : vector<8000x256xf32> to vector<2000x256xf32>
    %get3A_75 = arith.constant 0 : index
    %get3A_76 = arith.constant 0 : index
    %get3A_77 = vector.load %arg8[%get3A_75, %get3A_76] : memref<256x512xf32, #tpu.memory_space<vmem>>, vector<256x512xf32>
    %dot_general3A_78 = arith.constant dense<0.000000e+00> : vector<2000x512xf32>
    %dot_general3A_79 = tpu.matmul %slice3A_74, %get3A_77, %dot_general3A_78 {dimension_numbers = #tpu.dot_dimension_numbers<[1], [0], [0], [1], [0, 0, 1, 1], [], []>, transpose_lhs_hint = false} : vector<2000x256xf32>, vector<256x512xf32>, vector<2000x512xf32> -> vector<2000x512xf32>
    %get3A_80 = arith.constant 0 : index
    %get3A_81 = arith.constant 0 : index
    %get3A_82 = vector.load %arg9[%get3A_80, %get3A_81] : memref<1x512xf32, #tpu.memory_space<vmem>>, vector<1x512xf32>
    %add3A_83 = vector.broadcast %get3A_82 : vector<1x512xf32> to vector<2000x512xf32>
    %add3A_84 = arith.addf %dot_general3A_79, %add3A_83 : vector<2000x512xf32>
    %tanh3A_85 = math.tanh %add3A_84 : vector<2000x512xf32>
    %mul3A_86 = arith.mulf %add3A_84, %tanh3A_85 : vector<2000x512xf32>
    %add3A_87 = arith.addf %add3A_84, %mul3A_86 : vector<2000x512xf32>
    %get3A_88 = arith.constant 0 : index
    %get3A_89 = arith.constant 0 : index
    %get3A_90 = vector.load %arg10[%get3A_88, %get3A_89] : memref<512x512xf32, #tpu.memory_space<vmem>>, vector<512x512xf32>
    %dot_general3A_91 = arith.constant dense<0.000000e+00> : vector<2000x512xf32>
    %dot_general3A_92 = tpu.matmul %add3A_87, %get3A_90, %dot_general3A_91 {dimension_numbers = #tpu.dot_dimension_numbers<[1], [0], [0], [1], [0, 0, 1, 1], [], []>, transpose_lhs_hint = false} : vector<2000x512xf32>, vector<512x512xf32>, vector<2000x512xf32> -> vector<2000x512xf32>
    %get3A_93 = arith.constant 0 : index
    %get3A_94 = arith.constant 0 : index
    %get3A_95 = vector.load %arg11[%get3A_93, %get3A_94] : memref<1x512xf32, #tpu.memory_space<vmem>>, vector<1x512xf32>
    %add3A_96 = vector.broadcast %get3A_95 : vector<1x512xf32> to vector<2000x512xf32>
    %add3A_97 = arith.addf %dot_general3A_92, %add3A_96 : vector<2000x512xf32>
    %tanh3A_98 = math.tanh %add3A_97 : vector<2000x512xf32>
    %mul3A_99 = arith.mulf %add3A_97, %tanh3A_98 : vector<2000x512xf32>
    %add3A_100 = arith.addf %add3A_97, %mul3A_99 : vector<2000x512xf32>
    %get3A_101 = arith.constant 0 : index
    %get3A_102 = arith.constant 0 : index
    %get3A_103 = vector.load %arg6[%get3A_101, %get3A_102] : memref<512x1xf32, #tpu.memory_space<vmem>>, vector<512x1xf32>
    %dot_general3A_104 = arith.constant dense<0.000000e+00> : vector<2000x1xf32>
    %dot_general3A_105 = tpu.matmul %add3A_100, %get3A_103, %dot_general3A_104 {dimension_numbers = #tpu.dot_dimension_numbers<[1], [0], [0], [1], [0, 0, 1, 1], [], []>, transpose_lhs_hint = false} : vector<2000x512xf32>, vector<512x1xf32>, vector<2000x1xf32> -> vector<2000x1xf32>
    %swap3A_106 = arith.constant 0 : index
    %swap3A_107 = arith.constant 4000 : index
    %swap3A_108 = arith.constant 0 : index
    %swap3A_109 = vector.load %arg7[%swap3A_106, %swap3A_107, %swap3A_108] : memref<1x8000x1xf32, #tpu.memory_space<vmem>>, vector<1x2000x1xf32>
    %swap3A_110 = vector.shape_cast %swap3A_109 : vector<1x2000x1xf32> to vector<2000x1xf32>
    %swap3A_111 = vector.shape_cast %dot_general3A_105 : vector<2000x1xf32> to vector<1x2000x1xf32>
    tpu.vector_store %arg7[%swap3A_106, %swap3A_107, %swap3A_108], %swap3A_111 {strides = array<i32>} : memref<1x8000x1xf32, #tpu.memory_space<vmem>>, vector<1x2000x1xf32>,
    %slice3A_112 = vector.extract_strided_slice %get3A_3 {offsets = [6000, 0], sizes = [2000, 256], strides = [1, 1]} : vector<8000x256xf32> to vector<2000x256xf32>
    %get3A_113 = arith.constant 0 : index
    %get3A_114 = arith.constant 0 : index
    %get3A_115 = vector.load %arg8[%get3A_113, %get3A_114] : memref<256x512xf32, #tpu.memory_space<vmem>>, vector<256x512xf32>
    %dot_general3A_116 = arith.constant dense<0.000000e+00> : vector<2000x512xf32>
    %dot_general3A_117 = tpu.matmul %slice3A_112, %get3A_115, %dot_general3A_116 {dimension_numbers = #tpu.dot_dimension_numbers<[1], [0], [0], [1], [0, 0, 1, 1], [], []>, transpose_lhs_hint = false} : vector<2000x256xf32>, vector<256x512xf32>, vector<2000x512xf32> -> vector<2000x512xf32>
    %get3A_118 = arith.constant 0 : index
    %get3A_119 = arith.constant 0 : index
    %get3A_120 = vector.load %arg9[%get3A_118, %get3A_119] : memref<1x512xf32, #tpu.memory_space<vmem>>, vector<1x512xf32>
    %add3A_121 = vector.broadcast %get3A_120 : vector<1x512xf32> to vector<2000x512xf32>
    %add3A_122 = arith.addf %dot_general3A_117, %add3A_121 : vector<2000x512xf32>
    %tanh3A_123 = math.tanh %add3A_122 : vector<2000x512xf32>
    %mul3A_124 = arith.mulf %add3A_122, %tanh3A_123 : vector<2000x512xf32>
    %add3A_125 = arith.addf %add3A_122, %mul3A_124 : vector<2000x512xf32>
    %get3A_126 = arith.constant 0 : index
    %get3A_127 = arith.constant 0 : index
    %get3A_128 = vector.load %arg10[%get3A_126, %get3A_127] : memref<512x512xf32, #tpu.memory_space<vmem>>, vector<512x512xf32>
    %dot_general3A_129 = arith.constant dense<0.000000e+00> : vector<2000x512xf32>
    %dot_general3A_130 = tpu.matmul %add3A_125, %get3A_128, %dot_general3A_129 {dimension_numbers = #tpu.dot_dimension_numbers<[1], [0], [0], [1], [0, 0, 1, 1], [], []>, transpose_lhs_hint = false} : vector<2000x512xf32>, vector<512x512xf32>, vector<2000x512xf32> -> vector<2000x512xf32>
    %get3A_131 = arith.constant 0 : index
    %get3A_132 = arith.constant 0 : index
    %get3A_133 = vector.load %arg11[%get3A_131, %get3A_132] : memref<1x512xf32, #tpu.memory_space<vmem>>, vector<1x512xf32>
    %add3A_134 = vector.broadcast %get3A_133 : vector<1x512xf32> to vector<2000x512xf32>
    %add3A_135 = arith.addf %dot_general3A_130, %add3A_134 : vector<2000x512xf32>
    %tanh3A_136 = math.tanh %add3A_135 : vector<2000x512xf32>
    %mul3A_137 = arith.mulf %add3A_135, %tanh3A_136 : vector<2000x512xf32>
    %add3A_138 = arith.addf %add3A_135, %mul3A_137 : vector<2000x512xf32>
    %get3A_139 = arith.constant 0 : index
    %get3A_140 = arith.constant 0 : index
    %get3A_141 = vector.load %arg6[%get3A_139, %get3A_140] : memref<512x1xf32, #tpu.memory_space<vmem>>, vector<512x1xf32>
    %dot_general3A_142 = arith.constant dense<0.000000e+00> : vector<2000x1xf32>
    %dot_general3A_143 = tpu.matmul %add3A_138, %get3A_141, %dot_general3A_142 {dimension_numbers = #tpu.dot_dimension_numbers<[1], [0], [0], [1], [0, 0, 1, 1], [], []>, transpose_lhs_hint = false} : vector<2000x512xf32>, vector<512x1xf32>, vector<2000x1xf32> -> vector<2000x1xf32>
    %swap3A_144 = arith.constant 0 : index
    %swap3A_145 = arith.constant 6000 : index
    %swap3A_146 = arith.constant 0 : index
    %swap3A_147 = vector.load %arg7[%swap3A_144, %swap3A_145, %swap3A_146] : memref<1x8000x1xf32, #tpu.memory_space<vmem>>, vector<1x2000x1xf32>
    %swap3A_148 = vector.shape_cast %swap3A_147 : vector<1x2000x1xf32> to vector<2000x1xf32>
    %swap3A_149 = vector.shape_cast %dot_general3A_143 : vector<2000x1xf32> to vector<1x2000x1xf32>
    tpu.vector_store %arg7[%swap3A_144, %swap3A_145, %swap3A_146], %swap3A_149 {strides = array<i32>} : memref<1x8000x1xf32, #tpu.memory_space<vmem>>, vector<1x2000x1xf32>,
    return
  }
  func.func @transform_0(%arg0: i32) -> (i32, i32) {
    %c0_i32 = arith.constant 0 : i32
    %c0_i32_0 = arith.constant 0 : i32
    return %arg0, %c0_i32 : i32, i32
  }
  func.func @transform_1(%arg0: i32) -> (i32, i32) {
    %c0_i32 = arith.constant 0 : i32
    %c0_i32_0 = arith.constant 0 : i32
    %c0_i32_1 = arith.constant 0 : i32
    return %c0_i32, %c0_i32_0 : i32, i32
  }
  func.func @transform_2(%arg0: i32) -> (i32, i32) {
    %c0_i32 = arith.constant 0 : i32
    %c0_i32_0 = arith.constant 0 : i32
    %c0_i32_1 = arith.constant 0 : i32
    return %c0_i32, %c0_i32_0 : i32, i32
  }
  func.func @transform_3(%arg0: i32) -> (i32, i32) {
    %c0_i32 = arith.constant 0 : i32
    %c0_i32_0 = arith.constant 0 : i32
    %c0_i32_1 = arith.constant 0 : i32
    return %c0_i32, %c0_i32_0 : i32, i32
  }
  func.func @transform_4(%arg0: i32) -> (i32, i32) {
    %c0_i32 = arith.constant 0 : i32
    %c0_i32_0 = arith.constant 0 : i32
    %c0_i32_1 = arith.constant 0 : i32
    return %c0_i32, %c0_i32_0 : i32, i32
  }
  func.func @transform_5(%arg0: i32) -> (i32, i32) {
    %c0_i32 = arith.constant 0 : i32
    %c0_i32_0 = arith.constant 0 : i32
    %c0_i32_1 = arith.constant 0 : i32
    return %c0_i32, %c0_i32_0 : i32, i32
  }
  func.func @transform_6(%arg0: i32) -> (i32, i32, i32) {
    %c0_i32 = arith.constant 0 : i32
    %c0_i32_0 = arith.constant 0 : i32
    %c0_i32_1 = arith.constant 0 : i32
    return %arg0, %c0_i32, %c0_i32_0 : i32, i32, i32
  }
}

</mosaic_0001>

<sc_bundles>
// kernel: kernel.4.cloned.1.call-start
scs
__scs_entry_jumppad:
0x0: {  	(pc) =	sbr.rel $0x88, $3  }
0x1: {  	(tag) =	ssettag $0x0;
	lr =	simm.s32 $0x1  }
0x2: {  	[smem:$0x3F9A] =	sst lr;
	_ =	strace $0xD0000000  }
0x3: {  	_ = 	snop  }
0x4: {  	_ = 	snop  }
0x5: {  	_ = 	snop  }
0x6: {  	_ = 	snop  }
0x7: {  	_ = 	snop  }
__scs_overlays_trampoline_lowered:
0x8: {  	[smem:$0x3FA9] =	sst s0  }
0x9: {  	[smem:$0x3FAA] =	sst s1  }
0xa: {  	[smem:$0x3FAB] =	sst s2  }
0xb: {  	[smem:$0x3FAC] =	sst s3  }
0xc: {  	[smem:$0x3FAD] =	sst s4  }
0xd: {  	[smem:$0x3FAE] =	sst s5  }
0xe: {  	[smem:$0x3FAF] =	sst s6  }
0xf: {  	[smem:$0x3FB0] =	sst s7  }
0x10: {  	[smem:$0x3FB1] =	sst s8  }
0x11: {  	[smem:$0x3FB2] =	sst s9;
	s0 =	simm.s32 @!p0 $0x0  }
0x12: {  	s1 =	sld [smem:$0x3F98];
	s0 =	simm.s32 @p0 $0x1  }
0x13: {  	[smem:$0x3FB3] =	sst s0;
	s0 =	simm.s32 @!p1 $0x0  }
0x14: {  	s2 =	sld [smem:$0x3F97];
	s0 =	simm.s32 @p1 $0x1  }
0x15: {  	[smem:$0x3FB4] =	sst s0;
	s0 =	simm.s32 @!p2 $0x0  }
0x16: {  	s3 =	sld [smem:$0x3FDB];
	s0 =	simm.s32 @p2 $0x1  }
0x17: {  	s4 =	simm.s32 $0x1BF5;
	[smem:$0x3FB6] =	sst s0  }
0x18: {  	s0 =	sld [smem:$0x3F99];
	_ =	swait.ge [sflag:s4], $0x0  }
0x19: {  	s7 =	sld [smem:$0x3F9A]  }
0x1a: {  	s8 =	sadd.s32 $0xFFFFE003, lr  }
0x1b: {  	s9 =	sadd.s32 $0xFFFFFEF7, lr;
	s5 =	simm.s32 $0xFFFFFFFF;
	p2 =	slt.u32 s8, $0xFFFFF086  }
0x1c: {  	p1 =	slt.u32 s9, $0xF7A;
	s5 =	simm.s32 @!p2 $0x0  }
0x1d: {  	s5 =	simm.s32 @p1 $0x1;
	p0 =	seq.s32 s7, s2  }
0x1e: {  	s7 =	smul.u32 @!p0 $0xF7A, s2;
	p2 =	seq.s32 @!p0 s5, $0x0  }
0x1f: {  	s9 =	smul.u32 $0xF7A, s1;
	s8 =	simm.s32 @!p0 $0x1BF5;
	p2 =	por !p2, p0  }
0x20: {  	[sflag:s8] =	ssyncset.s32 @!p0 $0xFFFFF086;
	s6 =	sadd.s32 @!p0 s3, s7;
	s7 =	simm.s32 @!p0 $0x108  }
0x21: {  	s3 =	sadd.s32 s3, s9;
	s6 =	sadd.s32 @!p0 $0x88, s6;
	s7 =	simm.s32 @p2 $0x1082  }
0x22: {  	[simem:s7], [sflag:s8] =	dma.local @!p0 [hbm:s6], $0xF7A  }
0x23: {  	s9 =	sor.u32 $0xD0000000, s2;
	s6 =	simm.s32 $0x108;
	_ =	swait.ge @!p0 [sflag:s8], $0x0  }
0x24: {  	s3 =	sadd.s32 $0x88, s3;
	s6 =	simm.s32 @!p1 $0x1082;
	[sflag:s4] =	ssyncset.s32 $0xFFFFF086  }
0x25: {  	[simem:s6], [sflag:s4] =	dma.local [hbm:s3], $0xF7A  }
0x26: {  	[smem:$0x3F9A] =	sst s1;
	(tag) =	ssettag s2;
	_ =	strace s9  }
0x27: {  	s1 =	sld [smem:$0x3FAA]  }
0x28: {  	s2 =	sld [smem:$0x3FAB]  }
0x29: {  	s4 =	sld [smem:$0x3FAD]  }
0x2a: {  	p0 =	seq.s32 s5, $0x0;
	s5 =	sld [smem:$0x3FAE]  }
0x2b: {  	s6 =	sld [smem:$0x3FAF]  }
0x2c: {  	s7 =	sld [smem:$0x3FB0]  }
0x2d: {  	s3 =	simm.s32 $0x108;
	s8 =	sld [smem:$0x3FB1]  }
0x2e: {  	s3 =	simm.s32 @!p0 $0x1082;
	s9 =	sld [smem:$0x3FB2]  }
0x2f: {  	lr =	sadd.s32 s0, s3;
	s0 =	sld [smem:$0x3FA9]  }
0x30: {  	s3 =	sld [smem:$0x3FAC]  }
0x31: {  	[smem:$0x3FB5] =	sst s10  }
0x32: {  	s10 =	sld [smem:$0x3FB3];
	_ =	sdelay $0x3  }
0x33: {  	p0 =	seq.s32 s10, $0x1;
	s10 =	sld [smem:$0x3FB5];
	_ =	sdelay $0x3  }
0x34: {  	[smem:$0x3FB5] =	sst s10  }
0x35: {  	s10 =	sld [smem:$0x3FB4];
	_ =	sdelay $0x3  }
0x36: {  	p1 =	seq.s32 s10, $0x1;
	s10 =	sld [smem:$0x3FB5];
	_ =	sdelay $0x3  }
0x37: {  	[smem:$0x3FB5] =	sst s10  }
0x38: {  	s10 =	sld [smem:$0x3FB6]  }
0x39: {  	_ = 	snop;
	(pc) =	sbr.ind lr, $3  }
0x3a: {  	_ = 	snop  }
0x3b: {  	_ = 	snop  }
0x3c: {  	p2 =	seq.s32 s10, $0x1;
	s10 =	sld [smem:$0x3FB5]  }
0x3d: {  	_ =	shalt  }
0x3e: {  	_ =	shalt  }
0x3f: {  	_ =	shalt  }
0x40: {  	_ =	shalt  }
0x41: {  	_ =	shalt  }
0x42: {  	_ =	shalt  }
0x43: {  	_ =	shalt  }
0x44: {  	_ =	shalt  }
0x45: {  	_ =	shalt  }
0x46: {  	_ =	shalt  }
0x47: {  	_ =	shalt  }
0x48: {  	_ =	shalt  }
0x49: {  	_ =	shalt  }
0x4a: {  	_ =	shalt  }
0x4b: {  	_ =	shalt  }
0x4c: {  	_ =	shalt  }
0x4d: {  	_ =	shalt  }
0x4e: {  	_ =	shalt  }
0x4f: {  	_ =	shalt  }
0x50: {  	_ =	shalt  }
0x51: {  	_ =	shalt  }
0x52: {  	_ =	shalt  }
0x53: {  	_ =	shalt  }
0x54: {  	_ =	shalt  }
0x55: {  	_ =	shalt  }
0x56: {  	_ =	shalt  }
0x57: {  	_ =	shalt  }
0x58: {  	_ =	shalt  }
0x59: {  	_ =	shalt  }
0x5a: {  	_ =	shalt  }
0x5b: {  	_ =	shalt  }
0x5c: {  	_ =	shalt  }
0x5d: {  	_ =	shalt  }
0x5e: {  	_ =	shalt  }
0x5f: {  	_ =	shalt  }
0x60: {  	_ =	shalt  }
0x61: {  	_ =	shalt  }
0x62: {  	_ =	shalt  }
0x63: {  	_ =	shalt  }
0x64: {  	_ =	shalt  }
0x65: {  	_ =	shalt  }
0x66: {  	_ =	shalt  }
0x67: {  	_ =	shalt  }
0x68: {  	_ =	shalt  }
0x69: {  	_ =	shalt  }
0x6a: {  	_ =	shalt  }
0x6b: {  	_ =	shalt  }
0x6c: {  	_ =	shalt  }
0x6d: {  	_ =	shalt  }
0x6e: {  	_ =	shalt  }
0x6f: {  	_ =	shalt  }
0x70: {  	_ =	shalt  }
0x71: {  	_ =	shalt  }
0x72: {  	_ =	shalt  }
0x73: {  	_ =	shalt  }
0x74: {  	_ =	shalt  }
0x75: {  	_ =	shalt  }
0x76: {  	_ =	shalt  }
0x77: {  	_ =	shalt  }
0x78: {  	_ =	shalt  }
0x79: {  	_ =	shalt  }
0x7a: {  	_ =	shalt  }
0x7b: {  	_ =	shalt  }
0x7c: {  	_ =	shalt  }
0x7d: {  	_ =	shalt  }
0x7e: {  	_ =	shalt  }
0x7f: {  	_ =	shalt  }
0x80: {  	_ =	shalt  }
0x81: {  	_ =	shalt  }
0x82: {  	_ =	shalt  }
0x83: {  	_ =	shalt  }
0x84: {  	_ =	shalt  }
0x85: {  	_ =	shalt  }
0x86: {  	_ =	shalt  }
0x87: {  	_ =	shalt  }
.Lfunc_end0:
.L_simem_size_0:
called_computation_lowered:
.L_overlay_start_0:
0x88: {  	s2 =	sld [smem:$0x3FD9]  }
0x89: {  	s3 =	sld [smem:$0x3FFE];
	_ =	sdelay $0x1  }
0x8a: {  	s1 =	srdreg.scid  }
0x8b: {  	s0 =	sand.u32 $0x1, s1  }
0x8c: {  	s17 =	sshll.u32 s0, $0xA;
	s2 =	sadd.s32 s3, s2  }
0x8d: {  	s2 =	sadd.s32 s2, s17  }
0x8e: {  	[smem:$0x3FC1] =	sst s2  }
0x8f: {  	_ = 	snop  }
0x90: {  	s2 =	sld [smem:$0x3FC9];
	(tm) =	ssettm $0x1  }
0x91: {  	s18 =	sld [smem:$0x3FFB];
	_ =	sdelay $0x3  }
0x92: {  	_ =	strace s18  }
0x93: {  	s3 =	sld [smem:$0x3FFC];
	_ =	sdelay $0x3  }
0x94: {  	_ =	strace s3  }
0x95: {  	s3 =	sld [smem:$0x3FFD];
	_ =	sdelay $0x3  }
0x96: {  	_ =	strace s3  }
0x97: {  	_ =	strace $0x8FFFFFFF  }
0x98: {  	s19 =	sld [smem:$0x3FDB];
	_ =	sdelay $0x1  }
0x99: {  	s4 =	simm.s32 $_scs_section_size  }
0x9a: {  	s5 =	simm.s32 $_size__tile_overlayer_lowered;
	s6 =	simm.s32 $_tile_overlayer_lowered  }
0x9b: {  	s22 =	simm.s32 $0x1BFF;
	s21 =	sshll.u32 s6, $0x1;
	s3 =	sadd.s32 s4, s19  }
0x9c: {  	s7 =	simm.s32 $0x0;
	s20 =	sshll.u32 s5, $0x1;
	s5 =	sadd.s32 s21, s3  }
0x9d: {  	[timem:s7], [sflag:s22] =	dma.local [hbm:s5], s20  }
0x9e: {  	_ =	swait.ge [sflag:s22], s20  }
0x9f: {  	s4 =	ssub.s32 $0x0, s20;
	[sflag:s22] =	ssyncset.done $0x0  }
0xa0: {  	[sflag:s22] =	ssyncadd.s32 s4;
	_ =	sdelay $0x1  }
0xa1: {  	s23 =	simm.s32 $0x1B8B  }
0xa2: {  	_ =	swait.ge [sflag:s23], $0x1  }
0xa3: {  	[sflag:s23] =	ssyncset.done $0x0  }
0xa4: {  	s25 =	simm.s32 $0x1B8E;
	s24 =	sld [smem:$0x3FFE];
	[sflag:s23] =	ssyncadd.s32 $0xFFFFFFFF  }
0xa5: {  	s26 =	simm.s32 $execute0_lowered;
	[smem:$0x3FD2] =	sst s25  }
0xa6: {  	s5 =	sshll.u32 s26, $0x1;
	_ =	strace $0x80000046;
	[dreg:$0x1] =	wrdreg $0xFFFFFFFF  }
0xa7: {  	s28 =	simm.s32 $_size_execute0_lowered;
	s3 =	sadd.s32 s3, s5;
	[dreg:$0x0] =	wrdreg $0x0  }
0xa8: {  	s5 =	sshll.u32 s28, $0x1;
	[dreg:$0x2] =	wrdreg s3  }
0xa9: {  	[dreg:$0x3] =	wrdreg s5  }
0xaa: {  	[dreg:$0x4] =	wrdreg $0xC0  }
0xab: {  	_ =	task [dreg:s7], $0x5FFFF  }
0xac: {  	[dreg:$0x1] =	wrdreg $0xFFFFFFFF  }
0xad: {  	[dreg:$0x0] =	wrdreg $0x60  }
0xae: {  	[dreg:$0x2] =	wrdreg s24  }
0xaf: {  	[dreg:$0x3] =	wrdreg s2  }
0xb0: {  	[dreg:$0x4] =	wrdreg $0x9  }
0xb1: {  	_ =	task.clear_ibuf [dreg:s7], $0x5FFFF;
	_ =	strace $0x90000046  }
0xb2: {  	s29 =	simm.s32 $0x9;
	_ =	strace $0x80000048  }
0xb3: {  	_ =	swait.ge [sflag:s29], $0x1  }
0xb4: {  	[sflag:s29] =	ssyncadd.s32 $0xFFFFFFFF  }
0xb5: {  	_ =	strace $0x90000048  }
0xb6: {  	_ =	sfence  }
0xb7: {  	s30 =	sld [smem:$0x0];
	_ =	sdelay $0x2  }
0xb8: {  	s31 =	sshll.u32 s1, $0xD;
	s1 =	sshrl.u32 s1, $0x2  }
0xb9: {  	s3 =	sand.u32 $0x4000, s31;
	s1 =	sadd.s32 s1, s30  }
0xba: {  	s0 =	sor.u32 s3, s0;
	s1 =	sshll.u32 s1, $0x11  }
0xbb: {  	s0 =	sor.u32 s1, s0  }
0xbc: {  	s0 =	sadd.s32 $0x8F2B, s0  }
0xbd: {  	[sflag:s0] =	ssyncadd.remote.s32 $0x1  }
0xbe: {  	_ =	sfence.sel $0xFFFF  }
0xbf: {  	[dreg:$0x0] =	wrdreg $0xFFFFFFFF;
	(pc) =	sbr.abs _section_cstart, $3  }
0xc0: {  	[dreg:$0x1] =	wrdreg $0xFFFFFFFF  }
0xc1: {  	_ =	task.clear_ibuf [dreg:s7], $0x2FFFF;
	_ =	strace $0x9FFFFFFF  }
0xc2: {  	(tm) =	ssettm $0x7FFFFFFF  }
0xc3: {  	_ =	shalt  }
tec
execute0_lowered:
.L_overlay_start_1:
0x0: {  	(tag) =	ssettag $0x1  }
0x1: {  	s3 =	rddreg [dreg:$0x0]  }
0x2: {  	s1 =	srdreg.scid;
	s0 =	stileid.u32  }
0x3: {  	s4 =	rddreg [dreg:$0x1];
	s2 =	simm.s32 $0x0;
	s10 =	simm.s32 $0x6720  }
0x4: {  	s5 =	sand.u32 $0x1, s1;
	s6 =	sshll.u32 s0, $0x1;
	s1 =	rddreg [dreg:$0x2]  }
0x5: {  	s11 =	simm.s32 $0x0;
	[smem:$0x7FF] =	sst s2;
	s6 =	sor.u32 s5, s6  }
0x6: {  	s5 =	ssub.s32 $0x2, s5;
	s7 =	smul.u32 $0x271, s6;
	s6 =	sshll.u32 s6, $0x7  }
0x7: {  	_ =	strace $0x80000047;
	s8 =	sshrl.u32 s5, $0x1;
	s6 =	sadd.s32 s6, s3  }
0x8: {  	s8 =	ssub.s32 s5, s8;
	s9 =	sadd.s32 s7, s3;
	s4 =	sadd.s32 s4, s7  }
0x9: {  	v1 =	vlaneseq.u32;
	s5 =	sadd.s32 $0x5200, s6;
	s6 =	smax.u32 s8, $0x1;
	s7 =	simm.s32 $0x1  }
0xa: {  	v0 =	vimm.f32 $0.0e+00;
	v1 =	vmul.u32 $0x400, v1;
	s8 =	simm.s32 $0x1390;
	s3 =	sadd.s32 $0x200, s9;
	s9 =	simm.s32 $0x2720  }
.LBB2_1:
0xb: {  	[tilespmem:s2], [sflag:$0x1] =	stream.linear.gather [hbm4b:s3+s2], $0x1388, $0x38;
	[tilespmem:$0x6B20] =	vst v63  }
0xc: {  	_ =	swait.ge [sflag:s7], $0x1388  }
0xd: {  	[sflag:s7] =	ssyncset.done $0x0  }
0xe: {  	[sflag:s7] =	ssyncadd.s32 $0xFFFFEC78  }
0xf: {  	[tilespmem:s8], [sflag:$0x1] =	stream.linear.gather [hbm4b:s4+s2], $0x1388, $0x38;
	[tilespmem:$0x6B20] =	vst v63  }
0x10: {  	_ =	swait.ge [sflag:s7], $0x1388  }
0x11: {  	[sflag:s7] =	ssyncset.done $0x0  }
0x12: {  	s12 =	simm.s32 $0xFFFFFC00;
	s13 =	simm.s32 $0xFFFFF040;
	[sflag:s7] =	ssyncadd.s32 $0xFFFFEC78  }
.LBB2_2:
0x13: {  	p0 =	sne.s32 s13, $0xFFFFFFC0;
	[tilespmem:s12+$0x6720] =	vst v0  }
0x14: {  	[tilespmem:s12+$0x2B20] =	vst v0  }
0x15: {  	[tilespmem:s12+$0x2F20] =	vst v0  }
0x16: {  	[tilespmem:s12+$0x3320] =	vst v0  }
0x17: {  	[tilespmem:s12+$0x3720] =	vst v0  }
0x18: {  	[tilespmem:s12+$0x3B20] =	vst v0  }
0x19: {  	[tilespmem:s12+$0x3F20] =	vst v0  }
0x1a: {  	[tilespmem:s12+$0x4320] =	vst v0  }
0x1b: {  	[tilespmem:s12+$0x4720] =	vst v0  }
0x1c: {  	[tilespmem:s12+$0x4B20] =	vst v0  }
0x1d: {  	[tilespmem:s12+$0x4F20] =	vst v0  }
.Ltmp0:
0x1e: {  	[tilespmem:s12+$0x5320] =	vst v0;
	(pc) =	sbr.rel @p0 .LBB2_2-.Ltmp0, $4  }
0x1f: {  	[tilespmem:s12+$0x5720] =	vst v0  }
0x20: {  	[tilespmem:s12+$0x5B20] =	vst v0  }
0x21: {  	[tilespmem:s12+$0x5F20] =	vst v0  }
0x22: {  	[tilespmem:s12+$0x6320] =	vst v0;
	s12 =	sshra.s32 s13, $0x2;
	s13 =	sadd.s32 $0x40, s13  }
0x23: {  	[tilespmem:s12+$0x6720] =	vst v0  }
0x24: {  	[tilespmem:s12+$0x2B20] =	vst v0  }
0x25: {  	[tilespmem:s12+$0x2F20] =	vst v0  }
0x26: {  	[tilespmem:s12+$0x3320] =	vst v0  }
0x27: {  	[tilespmem:s12+$0x3720] =	vst v0  }
0x28: {  	[tilespmem:s12+$0x3B20] =	vst v0  }
0x29: {  	[tilespmem:s12+$0x3F20] =	vst v0  }
0x2a: {  	[tilespmem:s12+$0x4320] =	vst v0  }
0x2b: {  	[tilespmem:s12+$0x4720] =	vst v0  }
0x2c: {  	[tilespmem:s12+$0x4B20] =	vst v0  }
0x2d: {  	[tilespmem:s12+$0x4F20] =	vst v0  }
0x2e: {  	[tilespmem:s12+$0x5320] =	vst v0  }
0x2f: {  	[tilespmem:s12+$0x5720] =	vst v0  }
0x30: {  	[tilespmem:s12+$0x5B20] =	vst v0  }
0x31: {  	[tilespmem:s12+$0x5F20] =	vst v0  }
0x32: {  	[tilespmem:s12+$0x6320] =	vst v0;
	s13 =	simm.s32 $0x0;
	s12 =	simm.s32 $0x40  }
.LBB2_4:
0x33: {  	p0 =	sne.s32 s12, $0x4DC0;
	v2 =	vld [tilespmem:s13+$0x1390];
	_ =	sdelay $0x4  }
0x34: {  	v3 =	vld [tilespmem:s13+$0x0];
	v2 =	vadd.s32 v1, v2  }
.Ltmp1:
0x35: {  	(pc) =	sbr.rel @p0 .LBB2_4-.Ltmp1, $2  }
0x36: {  	_ =	sdelay $0x2  }
0x37: {  	s13 =	sshra.s32 s12, $0x2;
	s12 =	sadd.s32 $0x40, s12;
	[tilespmem:v2+s9+$0x0] =	vst.idx.add.f32.msk $0xffff, v3  }
0x38: {  	v2 =	vld [tilespmem:s13+$0x1390];
	_ =	sdelay $0x4  }
0x39: {  	v3 =	vld [tilespmem:s13+$0x0];
	v2 =	vadd.s32 v1, v2;
	_ =	sdelay $0x4  }
0x3a: {  	[tilespmem:v2+s9+$0x0] =	vst.idx.add.f32.msk $0xffff, v3  }
0x3b: {  	v2 =	vld [tilespmem:$0x2710];
	_ =	sdelay $0x4  }
0x3c: {  	v3 =	vld [tilespmem:$0x1380];
	v2 =	vadd.s32 v1, v2;
	_ =	sdelay $0x4  }
0x3d: {  	s13 =	simm.s32 $0x0;
	[tilespmem:v2+s9+$0x0] =	vst.idx.add.f32.msk $0xff, v3  }
0x3e: {  	v2 =	vld [tilespmem:s13+$0x2720]  }
0x3f: {  	v3 =	vld [tilespmem:s13+$0x2B20];
	_ =	sdelay $0x1  }
0x40: {  	v4 =	vld [tilespmem:s13+$0x2F20];
	_ =	sdelay $0x1  }
0x41: {  	v5 =	vld [tilespmem:s13+$0x3320]  }
0x42: {  	v2 =	vadd.f32 v3, v2  }
0x43: {  	v3 =	vld [tilespmem:s13+$0x3720]  }
0x44: {  	v2 =	vadd.f32 v4, v2  }
0x45: {  	v4 =	vld [tilespmem:s13+$0x3B20]  }
0x46: {  	v2 =	vadd.f32 v5, v2  }
0x47: {  	v5 =	vld [tilespmem:s13+$0x3F20]  }
0x48: {  	v2 =	vadd.f32 v3, v2  }
0x49: {  	v3 =	vld [tilespmem:s13+$0x4320]  }
0x4a: {  	s12 =	simm.s32 $0x10;
	v6 =	vld [tilespmem:s13+$0x4720];
	v2 =	vadd.f32 v4, v2  }
0x4b: {  	v7 =	vld [tilespmem:s12+$0x2720]  }
0x4c: {  	v4 =	vld [tilespmem:s13+$0x4B20];
	v2 =	vadd.f32 v5, v2  }
0x4d: {  	v5 =	vld [tilespmem:s12+$0x2B20]  }
0x4e: {  	v8 =	vld [tilespmem:s12+$0x2F20];
	v2 =	vadd.f32 v3, v2  }
0x4f: {  	v3 =	vld [tilespmem:s13+$0x4F20]  }
0x50: {  	v9 =	vld [tilespmem:s12+$0x3320];
	v2 =	vadd.f32 v6, v2  }
0x51: {  	v6 =	vld [tilespmem:s13+$0x5320]  }
0x52: {  	v5 =	vadd.f32 v5, v7;
	v7 =	vld [tilespmem:s12+$0x3720];
	v2 =	vadd.f32 v4, v2  }
0x53: {  	v4 =	vld [tilespmem:s13+$0x5720]  }
0x54: {  	v5 =	vadd.f32 v8, v5;
	v8 =	vld [tilespmem:s12+$0x3B20];
	v2 =	vadd.f32 v3, v2  }
0x55: {  	v3 =	vld [tilespmem:s13+$0x5B20]  }
0x56: {  	v10 =	vld [tilespmem:s12+$0x3F20];
	v5 =	vadd.f32 v9, v5;
	v2 =	vadd.f32 v6, v2  }
0x57: {  	v9 =	vld [tilespmem:s13+$0x5F20]  }
0x58: {  	v6 =	vadd.f32 v7, v5;
	v5 =	vld [tilespmem:s12+$0x4320];
	v7 =	vadd.f32 v4, v2  }
0x59: {  	v4 =	vld [tilespmem:s13+$0x6320]  }
0x5a: {  	v2 =	vld [tilespmem:s12+$0x4B20];
	v8 =	vadd.f32 v8, v6;
	v11 =	vadd.f32 v3, v7  }
0x5b: {  	s14 =	simm.s32 $0x20;
	v6 =	vld [tilespmem:s12+$0x4720]  }
0x5c: {  	s15 =	simm.s32 $0xC0;
	v3 =	vld [tilespmem:s14+$0x2720];
	v7 =	vadd.f32 v10, v8;
	v8 =	vadd.f32 v9, v11  }
.LBB2_6:
0x5d: {  	p0 =	sne.s32 s15, $0xFC0;
	v9 =	vld [tilespmem:s14+$0x2B20]  }
0x5e: {  	v5 =	vadd.f32 v5, v7;
	v7 =	vld [tilespmem:s12+$0x4F20];
	v4 =	vadd.f32 v4, v8  }
0x5f: {  	v8 =	vld [tilespmem:s14+$0x2F20]  }
0x60: {  	v5 =	vadd.f32 v6, v5;
	v6 =	vld [tilespmem:s12+$0x5320];
	[tilespmem:s13+$0x6720] =	vst v4;
	s13 =	smov.u32 s12;
	s12 =	smov.u32 s14  }
0x61: {  	v4 =	vld [tilespmem:s12+$0x3320]  }
0x62: {  	v3 =	vadd.f32 v9, v3;
	v2 =	vadd.f32 v2, v5;
	v5 =	vld [tilespmem:s13+$0x5720]  }
0x63: {  	v9 =	vld [tilespmem:s12+$0x3720]  }
0x64: {  	v3 =	vadd.f32 v8, v3;
	v2 =	vadd.f32 v7, v2;
	v7 =	vld [tilespmem:s13+$0x5B20]  }
0x65: {  	v8 =	vld [tilespmem:s12+$0x3B20]  }
0x66: {  	v3 =	vadd.f32 v4, v3;
	v2 =	vadd.f32 v6, v2;
	v10 =	vld [tilespmem:s13+$0x5F20]  }
0x67: {  	v11 =	vld [tilespmem:s12+$0x3F20]  }
.Ltmp2:
0x68: {  	v3 =	vadd.f32 v9, v3;
	v6 =	vadd.f32 v5, v2;
	v4 =	vld [tilespmem:s13+$0x6320];
	(pc) =	sbr.rel @p0 .LBB2_6-.Ltmp2, $4  }
0x69: {  	v5 =	vld [tilespmem:s12+$0x4320]  }
0x6a: {  	v8 =	vadd.f32 v8, v3;
	v2 =	vld [tilespmem:s12+$0x4B20];
	v9 =	vadd.f32 v7, v6  }
0x6b: {  	s14 =	sshra.s32 s15, $0x2;
	v6 =	vld [tilespmem:s12+$0x4720]  }
0x6c: {  	s15 =	sadd.s32 $0x40, s15;
	v3 =	vld [tilespmem:s14+$0x2720];
	v7 =	vadd.f32 v11, v8;
	v8 =	vadd.f32 v10, v9  }
0x6d: {  	v9 =	vld [tilespmem:s14+$0x2B20]  }
0x6e: {  	v10 =	vld [tilespmem:s12+$0x4F20];
	v4 =	vadd.f32 v4, v8  }
0x6f: {  	v49 =	vld [tilespmem:s14+$0x2F20]  }
0x70: {  	v11 =	vld [tilespmem:s12+$0x5320];
	v5 =	vadd.f32 v5, v7;
	[tilespmem:s13+$0x6720] =	vst v4  }
0x71: {  	v4 =	vld [tilespmem:s14+$0x3320]  }
0x72: {  	v5 =	vadd.f32 v6, v5;
	v3 =	vadd.f32 v9, v3  }
0x73: {  	v50 =	vld [tilespmem:s14+$0x3720]  }
0x74: {  	v51 =	vld [tilespmem:s12+$0x5720];
	v2 =	vadd.f32 v2, v5;
	v3 =	vadd.f32 v49, v3  }
0x75: {  	v52 =	vld [tilespmem:s14+$0x3B20]  }
0x76: {  	v53 =	vld [tilespmem:s12+$0x5B20];
	v2 =	vadd.f32 v10, v2;
	v3 =	vadd.f32 v4, v3  }
0x77: {  	v54 =	vld [tilespmem:s14+$0x3F20]  }
0x78: {  	v55 =	vld [tilespmem:s12+$0x5F20];
	v2 =	vadd.f32 v11, v2;
	v3 =	vadd.f32 v50, v3  }
0x79: {  	v56 =	vld [tilespmem:s14+$0x4320]  }
0x7a: {  	v57 =	vld [tilespmem:s12+$0x6320];
	v2 =	vadd.f32 v51, v2;
	v3 =	vadd.f32 v52, v3  }
0x7b: {  	v58 =	vld [tilespmem:s14+$0x4720]  }
0x7c: {  	v2 =	vadd.f32 v53, v2;
	v3 =	vadd.f32 v54, v3  }
0x7d: {  	v59 =	vld [tilespmem:s14+$0x4B20]  }
0x7e: {  	v2 =	vadd.f32 v55, v2;
	v3 =	vadd.f32 v56, v3  }
0x7f: {  	v60 =	vld [tilespmem:s14+$0x4F20]  }
0x80: {  	v2 =	vadd.f32 v57, v2;
	v3 =	vadd.f32 v58, v3  }
0x81: {  	v61 =	vld [tilespmem:s14+$0x5320]  }
0x82: {  	[tilespmem:s12+$0x6720] =	vst v2;
	v2 =	vadd.f32 v59, v3  }
0x83: {  	v3 =	vld [tilespmem:s14+$0x5720]  }
0x84: {  	v2 =	vadd.f32 v60, v2  }
0x85: {  	v62 =	vld [tilespmem:s14+$0x5B20]  }
0x86: {  	v2 =	vadd.f32 v61, v2  }
0x87: {  	v63 =	vld [tilespmem:s14+$0x5F20]  }
0x88: {  	v2 =	vadd.f32 v3, v2  }
0x89: {  	v3 =	vld [tilespmem:s14+$0x6320]  }
0x8a: {  	v2 =	vadd.f32 v62, v2;
	_ =	sdelay $0x1  }
0x8b: {  	v2 =	vadd.f32 v63, v2;
	_ =	sdelay $0x1  }
0x8c: {  	s11 =	sadd.s32 $0x1, s11;
	v2 =	vadd.f32 v3, v2  }
0x8d: {  	p0 =	sne.s32 s11, s6  }
.Ltmp3:
0x8e: {  	[tilespmem:s14+$0x6720] =	vst v2;
	(pc) =	sbr.rel @p0 .LBB2_1-.Ltmp3, $4  }
0x8f: {  	[hbm4b:s5+s2] =	stream.linear.scatter [tilespmem:s10], [sflag:$0x1], $0x400, $0x38;
	[tilespmem:$0x6B20] =	vst v63  }
0x90: {  	_ =	swait.ge [sflag:s7], $0x400  }
0x91: {  	[sflag:s7] =	ssyncset.done $0x0  }
0x92: {  	[sflag:s7] =	ssyncadd.s32 $0xFFFFFC00  }
0x93: {  	_ =	sfence.sel $0x180000  }
0x94: {  	[bflag:$0x0] =	sbarrier.arrive $0xFFFF  }
0x95: {  	p0 =	sne.s32 s0, $0x0;
	_ =	strace $0x90000047  }
0x96: {  	s0 =	sadd.s32 @!p0 $0x100000, s1;
	[bflag:$0x2] =	sbarrier.arrive $0xFFFF  }
0x97: {  	[sflag:s0] =	ssyncadd.tile.s32 @!p0 $0x1;
	_ =	shalt  }
.Lfunc_end2:
_tile_overlayer_lowered:
.L_overlay_start_2:
0x98: {  	(tag) =	ssettag $0x2  }
0x99: {  	s0 =	rddreg [dreg:$0x0];
	s2 =	stileid.u32  }
0x9a: {  	s1 =	rddreg [dreg:$0x1];
	p0 =	sne.s32 s2, $0x0  }
0x9b: {  	s3 =	rddreg [dreg:$0x2];
	[bflag:$0x3] =	sbarrier.arrive $0xFFFF;
	s2 =	simm.s32 @!p0 $0x1C01  }
0x9c: {  	[timem:s3], [sflag:s2] =	dma.local @!p0 [hbm:s0], s1  }
0x9d: {  	s0 =	simm.s32 @!p0 $0x1  }
0x9e: {  	_ =	swait.ge @!p0 [sflag:s0], s1  }
0x9f: {  	s1 =	ssub.s32 @!p0 $0x0, s1;
	[sflag:s0] =	ssyncset.done @!p0 $0x0  }
0xa0: {  	[sflag:s0] =	ssyncadd.s32 @!p0 s1  }
0xa1: {  	[bflag:$0x3] =	sbarrier.arrive $0xFFFF  }
0xa2: {  	_ =	shalt  }

</sc_bundles>
